<compile_context>
chip_gen: v7x
topology: tpu7x:2x2x1
jax: 0.10.2.dev20260603
libtpu: 0.0.44.dev20260713+nightly
codegen_flags: <defaults>
</compile_context>

<pallas_src>
import functools

import jax
import jax.numpy as jnp
from jax import lax
from jax.experimental import pallas as pl
from jax.experimental.pallas import tpu as pltpu
from jax.experimental.pallas import tpu_sc as plsc

B = 16384
L = 20
NTAB = 50000
PAD = NTAB - 1

NW = 32
SPW = B // NW
EPW = SPW * L
LANES = 16
VSTEPS = EPW // LANES
CHUNK = 512
NCHUNK = EPW // CHUNK
DEPTH = 4


def _sc_body(m_hbm, p_hbm, paths_hbm, signs_hbm, bg_hbm, meta_hbm, pers_hbm,
             out_hbm,
             paths_v, signs_v, m_v, p_v, bg_v, im_v, ip_v, vm_v, vp_v, out_v,
             sem_g, sem_bg, sem_sg):
    wid = lax.axis_index("s") * 2 + lax.axis_index("c")
    sbase = wid * SPW
    ebase = wid * EPW

    bg_cp = pltpu.make_async_copy(bg_hbm, bg_v, sem_bg)
    bg_cp.start()
    sg_cp = pltpu.make_async_copy(signs_hbm.at[pl.ds(ebase, EPW)], signs_v, sem_sg)
    sg_cp.start()
    pltpu.sync_copy(paths_hbm.at[pl.ds(ebase, EPW)], paths_v)
    pltpu.sync_copy(m_hbm.at[pl.ds(sbase, SPW)], m_v)
    pltpu.sync_copy(p_hbm.at[pl.ds(sbase, SPW)], p_v)

    lanes = lax.iota(jnp.int32, LANES)
    lvec = jnp.full((LANES,), L, dtype=jnp.int32)

    def build(i, carry):
        off = i * LANES
        n = paths_v[pl.ds(off, LANES)]
        s = lax.div(off + lanes, lvec)
        mrow = plsc.load_gather(m_v, [s])
        prow = plsc.load_gather(p_v, [s])
        im_v[pl.ds(off, LANES)] = mrow * NTAB + n
        ip_v[pl.ds(off, LANES)] = prow * NTAB + n
        return carry

    lax.fori_loop(0, VSTEPS, build, 0)

    def fire(c):
        o = c * CHUNK
        pltpu.make_async_copy(
            meta_hbm.at[im_v.at[pl.ds(o, CHUNK)]], vm_v.at[pl.ds(o, CHUNK)], sem_g
        ).start()
        pltpu.make_async_copy(
            pers_hbm.at[ip_v.at[pl.ds(o, CHUNK)]], vp_v.at[pl.ds(o, CHUNK)], sem_g
        ).start()

    def drain(c):
        o = c * CHUNK
        pltpu.make_async_copy(
            meta_hbm.at[im_v.at[pl.ds(o, CHUNK)]], vm_v.at[pl.ds(o, CHUNK)], sem_g
        ).wait()
        pltpu.make_async_copy(
            pers_hbm.at[ip_v.at[pl.ds(o, CHUNK)]], vp_v.at[pl.ds(o, CHUNK)], sem_g
        ).wait()

    def gloop(c, carry):
        fire(c)

        @pl.when(c >= DEPTH)
        def _():
            drain(c - DEPTH)

        return carry

    lax.fori_loop(0, NCHUNK, gloop, 0)

    def gdrain(c, carry):
        drain(c)
        return carry

    lax.fori_loop(NCHUNK - DEPTH, NCHUNK, gdrain, 0)

    bg_cp.wait()
    sg_cp.wait()

    c3 = jnp.float32(1.0 / 3.0)
    c5 = jnp.float32(1.0 / 5.0)
    c7 = jnp.float32(1.0 / 7.0)

    def comb(i, carry):
        off = i * LANES
        n = paths_v[pl.ds(off, LANES)]
        sg = signs_v[pl.ds(off, LANES)]
        bg = plsc.load_gather(bg_v, [n])
        x = sg * (bg + vm_v[pl.ds(off, LANES)] + vp_v[pl.ds(off, LANES)])
        u = jnp.exp(jnp.minimum(x, -x))
        t = u / (2.0 + u)
        t2 = t * t
        l1p = 2.0 * t * (1.0 + t2 * (c3 + t2 * (c5 + t2 * c7)))
        lp = jnp.minimum(x, 0.0) - l1p
        lp = jnp.where(n == PAD, 0.0, lp)
        vm_v[pl.ds(off, LANES)] = lp
        return carry

    lax.fori_loop(0, VSTEPS, comb, 0)

    def ssum(si, carry):
        base = (si * LANES + lanes) * L
        acc = jnp.zeros((LANES,), jnp.float32)
        for l in range(L):
            acc = acc + plsc.load_gather(vm_v, [base + l])
        out_v[pl.ds(si * LANES, LANES)] = acc
        return carry

    lax.fori_loop(0, SPW // LANES, ssum, 0)

    pltpu.sync_copy(out_v, out_hbm.at[pl.ds(sbase, SPW)])


_sc_call = pl.kernel(
    _sc_body,
    out_type=jax.ShapeDtypeStruct((B,), jnp.float32),
    mesh=plsc.VectorSubcoreMesh(core_axis_name="c", subcore_axis_name="s"),
    compiler_params=pltpu.CompilerParams(needs_layout_passes=False),
    scratch_types=[
        pltpu.VMEM((EPW,), jnp.int32),
        pltpu.VMEM((EPW,), jnp.float32),
        pltpu.VMEM((SPW,), jnp.int32),
        pltpu.VMEM((SPW,), jnp.int32),
        pltpu.VMEM((NTAB,), jnp.float32),
        pltpu.VMEM((EPW,), jnp.int32),
        pltpu.VMEM((EPW,), jnp.int32),
        pltpu.VMEM((EPW,), jnp.float32),
        pltpu.VMEM((EPW,), jnp.float32),
        pltpu.VMEM((SPW,), jnp.float32),
        pltpu.SemaphoreType.DMA,
        pltpu.SemaphoreType.DMA,
        pltpu.SemaphoreType.DMA,
    ],
)


def kernel(m_idx, p_idx, node_paths, node_signs, eta_bg, eta_meta, eta_pers):
    m32 = m_idx.astype(jnp.int32)
    p32 = p_idx.astype(jnp.int32)
    paths = node_paths.astype(jnp.int32).reshape(-1)
    signs = node_signs.reshape(-1)
    meta = eta_meta.reshape(-1)
    pers = eta_pers.reshape(-1)
    return _sc_call(m32, p32, paths, signs, eta_bg, meta, pers)

# --- scband reference (transcript-rebuilt; emitter-appended) ---
"""Pipeline reference for scband-hierarchical-sage-1546188226876 (READ-ONLY COPY).

The authoritative reference and input builder live on the scoring server;
editing this copy changes nothing except your own understanding.
"""

import jax, jax.numpy as jnp
import numpy as np

B = 16384
L = 20
M = 100
P = 1000
NUM_INTERNAL = 49999
PAD = NUM_INTERNAL  # padding_idx = num_internal_nodes; table width = PAD + 1 = 50000


def setup_inputs(seed: int = 0) -> dict:
    key = jax.random.key(seed)
    ks = jax.random.split(key, 7)
    m_idx = jax.random.randint(ks[0], (B,), 0, M, dtype=jnp.int64 if jax.config.jax_enable_x64 else jnp.int32)
    p_idx = jax.random.randint(ks[1], (B,), 0, P, dtype=jnp.int64 if jax.config.jax_enable_x64 else jnp.int32)
    node_paths = jax.random.randint(ks[2], (B, L), 0, PAD + 1, dtype=jnp.int64 if jax.config.jax_enable_x64 else jnp.int32)
    node_signs = jax.random.normal(ks[3], (B, L), dtype=jnp.float32)
    # learned parameters (initialized as small random values; original uses zeros, but
    # nonzero values exercise the same math path)
    eta_bg = jax.random.normal(ks[4], (PAD + 1,), dtype=jnp.float32) * 0.01
    eta_meta = jax.random.normal(ks[5], (M, PAD + 1), dtype=jnp.float32) * 0.01
    eta_pers = jax.random.normal(ks[6], (P, PAD + 1), dtype=jnp.float32) * 0.01
    return {
        "m_idx": m_idx,
        "p_idx": p_idx,
        "node_paths": node_paths,
        "node_signs": node_signs,
        "eta_bg": eta_bg,
        "eta_meta": eta_meta,
        "eta_pers": eta_pers,
    }


def reference(m_idx, p_idx, node_paths, node_signs, eta_bg, eta_meta, eta_pers):
    batch_size, max_path_len = node_paths.shape
    m_idx_expanded = jnp.broadcast_to(m_idx[:, None], (batch_size, max_path_len))
    p_idx_expanded = jnp.broadcast_to(p_idx[:, None], (batch_size, max_path_len))
    bg = eta_bg[node_paths]                              # gather [B, L]
    meta = eta_meta[m_idx_expanded, node_paths]          # 2D gather [B, L]
    pers = eta_pers[p_idx_expanded, node_paths]          # 2D gather [B, L]
    logits = bg + meta + pers
    path_mask = (node_paths != PAD).astype(jnp.float32)
    log_probs = jax.nn.log_sigmoid(node_signs * logits) * path_mask
    word_log_probs = log_probs.sum(axis=1)
    return word_log_probs

if __name__ == "__main__":
    import jax
    _d = setup_inputs()
    print(jax.jit(kernel)(*tuple(_d.values())))

</pallas_src>

<mosaic_0001>
#map = affine_map<(d0, d1) -> (0)>
module attributes {stable_mosaic.version = 14 : i64} {
  func.func @_sc_body(%arg0: i32, %arg1: i32, %arg2: memref<16384xi32, #tpu.memory_space<hbm>>, %arg3: memref<16384xi32, #tpu.memory_space<hbm>>, %arg4: memref<327680xi32, #tpu.memory_space<hbm>>, %arg5: memref<327680xf32, #tpu.memory_space<hbm>>, %arg6: memref<50000xf32, #tpu.memory_space<hbm>>, %arg7: memref<5000000xf32, #tpu.memory_space<hbm>>, %arg8: memref<50000000xf32, #tpu.memory_space<hbm>>, %arg9: memref<16384xf32, #tpu.memory_space<hbm>>, %arg10: memref<10240xi32, #tpu.memory_space<vmem>>, %arg11: memref<10240xf32, #tpu.memory_space<vmem>>, %arg12: memref<512xi32, #tpu.memory_space<vmem>>, %arg13: memref<512xi32, #tpu.memory_space<vmem>>, %arg14: memref<50000xf32, #tpu.memory_space<vmem>>, %arg15: memref<10240xi32, #tpu.memory_space<vmem>>, %arg16: memref<10240xi32, #tpu.memory_space<vmem>>, %arg17: memref<10240xf32, #tpu.memory_space<vmem>>, %arg18: memref<10240xf32, #tpu.memory_space<vmem>>, %arg19: memref<512xf32, #tpu.memory_space<vmem>>, %arg20: memref<!tpu.dma_semaphore, #tpu.memory_space<semaphore_mem>>, %arg21: memref<!tpu.dma_semaphore, #tpu.memory_space<semaphore_mem>>, %arg22: memref<!tpu.dma_semaphore, #tpu.memory_space<semaphore_mem>>) attributes {dimension_semantics = [#tpu.dimension_semantics<core_parallel>, #tpu.dimension_semantics<subcore_parallel>], iteration_bounds = array<i64: 2, 16>, scalar_prefetch = 0 : i64, scratch_operands = 13 : i64, tpu.core_type = #tpu.core_type<sc_vector_subcore>, window_params = [{transform_indices = #map}, {transform_indices = #map}, {transform_indices = #map}, {transform_indices = #map}, {transform_indices = #map}, {transform_indices = #map}, {transform_indices = #map}, {transform_indices = #map}]} {
    %mul3A = arith.constant 2 : i32
    %mul3A_0 = arith.muli %arg1, %mul3A : i32
    %add3A = arith.addi %mul3A_0, %arg0 : i32
    %mul3A_1 = arith.constant 512 : i32
    %mul3A_2 = arith.muli %add3A, %mul3A_1 : i32
    %mul3A_3 = arith.constant 10240 : i32
    %mul3A_4 = arith.muli %add3A, %mul3A_3 : i32
    tpu.enqueue_dma source(%arg6 : memref<50000xf32, #tpu.memory_space<hbm>>) target(%arg14 : memref<50000xf32, #tpu.memory_space<vmem>>) target_semaphore(%arg21 : memref<!tpu.dma_semaphore, #tpu.memory_space<semaphore_mem>>)
    %dma_start3A = tpu.memref_slice %arg5[%mul3A_4] : memref<327680xf32, #tpu.memory_space<hbm>> -> memref<10240xf32, #tpu.memory_space<hbm>>
    %dma_start3A_5 = tpu.memref_slice %arg5[%mul3A_4] : memref<327680xf32, #tpu.memory_space<hbm>> -> memref<10240xf32, #tpu.memory_space<hbm>>
    tpu.enqueue_dma source(%dma_start3A_5 : memref<10240xf32, #tpu.memory_space<hbm>>) target(%arg11 : memref<10240xf32, #tpu.memory_space<vmem>>) target_semaphore(%arg22 : memref<!tpu.dma_semaphore, #tpu.memory_space<semaphore_mem>>)
    "tpu.region"() ({
      %run_scoped3A = tpu.sem_alloc : memref<!tpu.dma_semaphore, #tpu.memory_space<semaphore_mem>>
      %dma_start3A_40 = tpu.memref_slice %arg4[%mul3A_4] : memref<327680xi32, #tpu.memory_space<hbm>> -> memref<10240xi32, #tpu.memory_space<hbm>>
      %dma_start3A_41 = tpu.memref_slice %arg4[%mul3A_4] : memref<327680xi32, #tpu.memory_space<hbm>> -> memref<10240xi32, #tpu.memory_space<hbm>>
      tpu.enqueue_dma source(%dma_start3A_41 : memref<10240xi32, #tpu.memory_space<hbm>>) target(%arg10 : memref<10240xi32, #tpu.memory_space<vmem>>) target_semaphore(%run_scoped3A : memref<!tpu.dma_semaphore, #tpu.memory_space<semaphore_mem>>)
      %dma_wait3A_42 = tpu.memref_slice %arg4[%mul3A_4] : memref<327680xi32, #tpu.memory_space<hbm>> -> memref<10240xi32, #tpu.memory_space<hbm>>
      %dma_wait3A_43 = tpu.memref_slice %arg4[%mul3A_4] : memref<327680xi32, #tpu.memory_space<hbm>> -> memref<10240xi32, #tpu.memory_space<hbm>>
      tpu.wait_dma2 semaphore(%run_scoped3A : memref<!tpu.dma_semaphore, #tpu.memory_space<semaphore_mem>>) src(%dma_wait3A_43 : memref<10240xi32, #tpu.memory_space<hbm>>) dst(%arg10 : memref<10240xi32, #tpu.memory_space<vmem>>)
      tpu.yield
    }) : () -> ()
    "tpu.region"() ({
      %run_scoped3A = tpu.sem_alloc : memref<!tpu.dma_semaphore, #tpu.memory_space<semaphore_mem>>
      %dma_start3A_40 = tpu.memref_slice %arg2[%mul3A_2] : memref<16384xi32, #tpu.memory_space<hbm>> -> memref<512xi32, #tpu.memory_space<hbm>>
      %dma_start3A_41 = tpu.memref_slice %arg2[%mul3A_2] : memref<16384xi32, #tpu.memory_space<hbm>> -> memref<512xi32, #tpu.memory_space<hbm>>
      tpu.enqueue_dma source(%dma_start3A_41 : memref<512xi32, #tpu.memory_space<hbm>>) target(%arg12 : memref<512xi32, #tpu.memory_space<vmem>>) target_semaphore(%run_scoped3A : memref<!tpu.dma_semaphore, #tpu.memory_space<semaphore_mem>>)
      %dma_wait3A_42 = tpu.memref_slice %arg2[%mul3A_2] : memref<16384xi32, #tpu.memory_space<hbm>> -> memref<512xi32, #tpu.memory_space<hbm>>
      %dma_wait3A_43 = tpu.memref_slice %arg2[%mul3A_2] : memref<16384xi32, #tpu.memory_space<hbm>> -> memref<512xi32, #tpu.memory_space<hbm>>
      tpu.wait_dma2 semaphore(%run_scoped3A : memref<!tpu.dma_semaphore, #tpu.memory_space<semaphore_mem>>) src(%dma_wait3A_43 : memref<512xi32, #tpu.memory_space<hbm>>) dst(%arg12 : memref<512xi32, #tpu.memory_space<vmem>>)
      tpu.yield
    }) : () -> ()
    "tpu.region"() ({
      %run_scoped3A = tpu.sem_alloc : memref<!tpu.dma_semaphore, #tpu.memory_space<semaphore_mem>>
      %dma_start3A_40 = tpu.memref_slice %arg3[%mul3A_2] : memref<16384xi32, #tpu.memory_space<hbm>> -> memref<512xi32, #tpu.memory_space<hbm>>
      %dma_start3A_41 = tpu.memref_slice %arg3[%mul3A_2] : memref<16384xi32, #tpu.memory_space<hbm>> -> memref<512xi32, #tpu.memory_space<hbm>>
      tpu.enqueue_dma source(%dma_start3A_41 : memref<512xi32, #tpu.memory_space<hbm>>) target(%arg13 : memref<512xi32, #tpu.memory_space<vmem>>) target_semaphore(%run_scoped3A : memref<!tpu.dma_semaphore, #tpu.memory_space<semaphore_mem>>)
      %dma_wait3A_42 = tpu.memref_slice %arg3[%mul3A_2] : memref<16384xi32, #tpu.memory_space<hbm>> -> memref<512xi32, #tpu.memory_space<hbm>>
      %dma_wait3A_43 = tpu.memref_slice %arg3[%mul3A_2] : memref<16384xi32, #tpu.memory_space<hbm>> -> memref<512xi32, #tpu.memory_space<hbm>>
      tpu.wait_dma2 semaphore(%run_scoped3A : memref<!tpu.dma_semaphore, #tpu.memory_space<semaphore_mem>>) src(%dma_wait3A_43 : memref<512xi32, #tpu.memory_space<hbm>>) dst(%arg13 : memref<512xi32, #tpu.memory_space<vmem>>)
      tpu.yield
    }) : () -> ()
    %iota3A = tpu.iota {dimensions = array<i32: 0>} : vector<16xi32>
    %broadcast_in_dim3A = arith.constant 20 : i32
    %broadcast_in_dim3A_6 = vector.broadcast %broadcast_in_dim3A : i32 to vector<16xi32>
    %scan3A = arith.constant 0 : i32
    %scan3A_7 = arith.constant 0 : i32
    %scan3A_8 = arith.constant 640 : i32
    %scan3A_9 = arith.addi %scan3A_7, %scan3A_8 : i32
    %scan3A_10 = arith.constant 1 : i32
    scf.for %scan3A_40 = %scan3A_7 to %scan3A_9 step %scan3A_10  : i32 {
      %mul3A_41 = arith.constant 16 : i32
      %mul3A_42 = arith.muli %scan3A_40, %mul3A_41 : i32
      %get3A = arith.index_cast %mul3A_42 : i32 to index
      %get3A_43 = tpu.vector_load %arg10[%get3A] {strides = array<i32>} : memref<10240xi32, #tpu.memory_space<vmem>>, vector<16xi32>,
      %add3A_44 = vector.broadcast %mul3A_42 : i32 to vector<16xi32>
      %add3A_45 = arith.addi %add3A_44, %iota3A : vector<16xi32>
      %div3A = arith.divsi %add3A_45, %broadcast_in_dim3A_6 : vector<16xi32>
      %gather3A = tpu.vector_load_idx %arg12[%div3A] : memref<512xi32, #tpu.memory_space<vmem>>[vector<16xi32>], vector<16xi32>,
      %gather3A_46 = tpu.vector_load_idx %arg13[%div3A] : memref<512xi32, #tpu.memory_space<vmem>>[vector<16xi32>], vector<16xi32>,
      %mul3A_47 = arith.constant 50000 : i32
      %mul3A_48 = vector.broadcast %mul3A_47 : i32 to vector<16xi32>
      %mul3A_49 = arith.muli %gather3A, %mul3A_48 : vector<16xi32>
      %add3A_50 = arith.addi %mul3A_49, %get3A_43 : vector<16xi32>
      %swap3A = arith.index_cast %mul3A_42 : i32 to index
      %swap3A_51 = tpu.vector_load %arg15[%swap3A] {strides = array<i32>} : memref<10240xi32, #tpu.memory_space<vmem>>, vector<16xi32>,
      tpu.vector_store %arg15[%swap3A], %add3A_50 {strides = array<i32>} : memref<10240xi32, #tpu.memory_space<vmem>>, vector<16xi32>,
      %mul3A_52 = arith.constant 50000 : i32
      %mul3A_53 = vector.broadcast %mul3A_52 : i32 to vector<16xi32>
      %mul3A_54 = arith.muli %gather3A_46, %mul3A_53 : vector<16xi32>
      %add3A_55 = arith.addi %mul3A_54, %get3A_43 : vector<16xi32>
      %swap3A_56 = arith.index_cast %mul3A_42 : i32 to index
      %swap3A_57 = tpu.vector_load %arg16[%swap3A_56] {strides = array<i32>} : memref<10240xi32, #tpu.memory_space<vmem>>, vector<16xi32>,
      tpu.vector_store %arg16[%swap3A_56], %add3A_55 {strides = array<i32>} : memref<10240xi32, #tpu.memory_space<vmem>>, vector<16xi32>,
    }
    %scan3A_11 = arith.constant 640 : i32
    %scan3A_12 = arith.constant 0 : i32
    %scan3A_13 = arith.constant 0 : i32
    %scan3A_14 = arith.constant 20 : i32
    %scan3A_15 = arith.addi %scan3A_13, %scan3A_14 : i32
    %scan3A_16 = arith.constant 1 : i32
    scf.for %scan3A_40 = %scan3A_13 to %scan3A_15 step %scan3A_16  : i32 {
      %mul3A_41 = arith.constant 512 : i32
      %mul3A_42 = arith.muli %scan3A_40, %mul3A_41 : i32
      %dma_start3A_43 = tpu.memref_slice %arg17[%mul3A_42] : memref<10240xf32, #tpu.memory_space<vmem>> -> memref<512xf32, #tpu.memory_space<vmem>>
      %dma_start3A_44 = tpu.memref_slice %arg15[%mul3A_42] : memref<10240xi32, #tpu.memory_space<vmem>> -> memref<512xi32, #tpu.memory_space<vmem>>
      %dma_start3A_45 = arith.constant 0 : i32
      %dma_start3A_46 = tpu.memref_slice %arg7[%dma_start3A_45] : memref<5000000xf32, #tpu.memory_space<hbm>> -> memref<5000000xf32, #tpu.memory_space<hbm>>
      tpu.enqueue_indirect_dma source(%dma_start3A_46 : memref<5000000xf32, #tpu.memory_space<hbm>>) target(%dma_start3A_43 : memref<512xf32, #tpu.memory_space<vmem>>) offsets(%dma_start3A_44 : memref<512xi32, #tpu.memory_space<vmem>>) semaphore(%arg20 : memref<!tpu.dma_semaphore, #tpu.memory_space<semaphore_mem>>)
      %dma_start3A_47 = tpu.memref_slice %arg18[%mul3A_42] : memref<10240xf32, #tpu.memory_space<vmem>> -> memref<512xf32, #tpu.memory_space<vmem>>
      %dma_start3A_48 = tpu.memref_slice %arg16[%mul3A_42] : memref<10240xi32, #tpu.memory_space<vmem>> -> memref<512xi32, #tpu.memory_space<vmem>>
      %dma_start3A_49 = arith.constant 0 : i32
      %dma_start3A_50 = tpu.memref_slice %arg8[%dma_start3A_49] : memref<50000000xf32, #tpu.memory_space<hbm>> -> memref<50000000xf32, #tpu.memory_space<hbm>>
      tpu.enqueue_indirect_dma source(%dma_start3A_50 : memref<50000000xf32, #tpu.memory_space<hbm>>) target(%dma_start3A_47 : memref<512xf32, #tpu.memory_space<vmem>>) offsets(%dma_start3A_48 : memref<512xi32, #tpu.memory_space<vmem>>) semaphore(%arg20 : memref<!tpu.dma_semaphore, #tpu.memory_space<semaphore_mem>>)
      %ge3A = arith.constant 4 : i32
      %ge3A_51 = arith.cmpi sge, %scan3A_40, %ge3A : i32
      %convert_element_type3A = arith.extui %ge3A_51 : i1 to i32
      %cond3A = arith.constant 0 : i32
      %cond3A_52 = arith.cmpi ne, %convert_element_type3A, %cond3A : i32
      scf.if %cond3A_52 {
        %sub3A = arith.constant 4 : i32
        %sub3A_53 = arith.subi %scan3A_40, %sub3A : i32
        %mul3A_54 = arith.constant 512 : i32
        %mul3A_55 = arith.muli %sub3A_53, %mul3A_54 : i32
        %dma_wait3A_56 = tpu.memref_slice %arg17[%mul3A_55] : memref<10240xf32, #tpu.memory_space<vmem>> -> memref<512xf32, #tpu.memory_space<vmem>>
        %dma_wait3A_57 = tpu.memref_slice %arg15[%mul3A_55] : memref<10240xi32, #tpu.memory_space<vmem>> -> memref<512xi32, #tpu.memory_space<vmem>>
        %dma_wait3A_58 = arith.constant 0 : i32
        %dma_wait3A_59 = tpu.memref_slice %arg7[%dma_wait3A_58] : memref<5000000xf32, #tpu.memory_space<hbm>> -> memref<5000000xf32, #tpu.memory_space<hbm>>
        tpu.wait_indirect_dma semaphore(%arg20 : memref<!tpu.dma_semaphore, #tpu.memory_space<semaphore_mem>>) src(%dma_wait3A_59 : memref<5000000xf32, #tpu.memory_space<hbm>>) dst(%dma_wait3A_56 : memref<512xf32, #tpu.memory_space<vmem>>)
        %dma_wait3A_60 = tpu.memref_slice %arg18[%mul3A_55] : memref<10240xf32, #tpu.memory_space<vmem>> -> memref<512xf32, #tpu.memory_space<vmem>>
        %dma_wait3A_61 = tpu.memref_slice %arg16[%mul3A_55] : memref<10240xi32, #tpu.memory_space<vmem>> -> memref<512xi32, #tpu.memory_space<vmem>>
        %dma_wait3A_62 = arith.constant 0 : i32
        %dma_wait3A_63 = tpu.memref_slice %arg8[%dma_wait3A_62] : memref<50000000xf32, #tpu.memory_space<hbm>> -> memref<50000000xf32, #tpu.memory_space<hbm>>
        tpu.wait_indirect_dma semaphore(%arg20 : memref<!tpu.dma_semaphore, #tpu.memory_space<semaphore_mem>>) src(%dma_wait3A_63 : memref<50000000xf32, #tpu.memory_space<hbm>>) dst(%dma_wait3A_60 : memref<512xf32, #tpu.memory_space<vmem>>)
      } else {
      }
    }
    %scan3A_17 = arith.constant 20 : i32
    %scan3A_18 = arith.constant 0 : i32
    %scan3A_19 = arith.constant 16 : i32
    %scan3A_20 = arith.constant 4 : i32
    %scan3A_21 = arith.addi %scan3A_19, %scan3A_20 : i32
    %scan3A_22 = arith.constant 1 : i32
    scf.for %scan3A_40 = %scan3A_19 to %scan3A_21 step %scan3A_22  : i32 {
      %mul3A_41 = arith.constant 512 : i32
      %mul3A_42 = arith.muli %scan3A_40, %mul3A_41 : i32
      %dma_wait3A_43 = tpu.memref_slice %arg17[%mul3A_42] : memref<10240xf32, #tpu.memory_space<vmem>> -> memref<512xf32, #tpu.memory_space<vmem>>
      %dma_wait3A_44 = tpu.memref_slice %arg15[%mul3A_42] : memref<10240xi32, #tpu.memory_space<vmem>> -> memref<512xi32, #tpu.memory_space<vmem>>
      %dma_wait3A_45 = arith.constant 0 : i32
      %dma_wait3A_46 = tpu.memref_slice %arg7[%dma_wait3A_45] : memref<5000000xf32, #tpu.memory_space<hbm>> -> memref<5000000xf32, #tpu.memory_space<hbm>>
      tpu.wait_indirect_dma semaphore(%arg20 : memref<!tpu.dma_semaphore, #tpu.memory_space<semaphore_mem>>) src(%dma_wait3A_46 : memref<5000000xf32, #tpu.memory_space<hbm>>) dst(%dma_wait3A_43 : memref<512xf32, #tpu.memory_space<vmem>>)
      %dma_wait3A_47 = tpu.memref_slice %arg18[%mul3A_42] : memref<10240xf32, #tpu.memory_space<vmem>> -> memref<512xf32, #tpu.memory_space<vmem>>
      %dma_wait3A_48 = tpu.memref_slice %arg16[%mul3A_42] : memref<10240xi32, #tpu.memory_space<vmem>> -> memref<512xi32, #tpu.memory_space<vmem>>
      %dma_wait3A_49 = arith.constant 0 : i32
      %dma_wait3A_50 = tpu.memref_slice %arg8[%dma_wait3A_49] : memref<50000000xf32, #tpu.memory_space<hbm>> -> memref<50000000xf32, #tpu.memory_space<hbm>>
      tpu.wait_indirect_dma semaphore(%arg20 : memref<!tpu.dma_semaphore, #tpu.memory_space<semaphore_mem>>) src(%dma_wait3A_50 : memref<50000000xf32, #tpu.memory_space<hbm>>) dst(%dma_wait3A_47 : memref<512xf32, #tpu.memory_space<vmem>>)
    }
    %scan3A_23 = arith.constant 4 : i32
    tpu.wait_dma2 semaphore(%arg21 : memref<!tpu.dma_semaphore, #tpu.memory_space<semaphore_mem>>) src(%arg6 : memref<50000xf32, #tpu.memory_space<hbm>>) dst(%arg14 : memref<50000xf32, #tpu.memory_space<vmem>>)
    %dma_wait3A = tpu.memref_slice %arg5[%mul3A_4] : memref<327680xf32, #tpu.memory_space<hbm>> -> memref<10240xf32, #tpu.memory_space<hbm>>
    %dma_wait3A_24 = tpu.memref_slice %arg5[%mul3A_4] : memref<327680xf32, #tpu.memory_space<hbm>> -> memref<10240xf32, #tpu.memory_space<hbm>>
    tpu.wait_dma2 semaphore(%arg22 : memref<!tpu.dma_semaphore, #tpu.memory_space<semaphore_mem>>) src(%dma_wait3A_24 : memref<10240xf32, #tpu.memory_space<hbm>>) dst(%arg11 : memref<10240xf32, #tpu.memory_space<vmem>>)
    %scan3A_25 = arith.constant 0 : i32
    %scan3A_26 = arith.constant 0.142857149 : f32
    %scan3A_27 = arith.constant 2.000000e-01 : f32
    %scan3A_28 = arith.constant 0.333333343 : f32
    %scan3A_29 = arith.constant 0 : i32
    %scan3A_30 = arith.constant 640 : i32
    %scan3A_31 = arith.addi %scan3A_29, %scan3A_30 : i32
    %scan3A_32 = arith.constant 1 : i32
    scf.for %scan3A_40 = %scan3A_29 to %scan3A_31 step %scan3A_32  : i32 {
      %mul3A_41 = arith.constant 16 : i32
      %mul3A_42 = arith.muli %scan3A_40, %mul3A_41 : i32
      %get3A = arith.index_cast %mul3A_42 : i32 to index
      %get3A_43 = tpu.vector_load %arg10[%get3A] {strides = array<i32>} : memref<10240xi32, #tpu.memory_space<vmem>>, vector<16xi32>,
      %get3A_44 = arith.index_cast %mul3A_42 : i32 to index
      %get3A_45 = tpu.vector_load %arg11[%get3A_44] {strides = array<i32>} : memref<10240xf32, #tpu.memory_space<vmem>>, vector<16xf32>,
      %gather3A = tpu.vector_load_idx %arg14[%get3A_43] : memref<50000xf32, #tpu.memory_space<vmem>>[vector<16xi32>], vector<16xf32>,
      %get3A_46 = arith.index_cast %mul3A_42 : i32 to index
      %get3A_47 = tpu.vector_load %arg17[%get3A_46] {strides = array<i32>} : memref<10240xf32, #tpu.memory_space<vmem>>, vector<16xf32>,
      %add3A_48 = arith.addf %gather3A, %get3A_47 : vector<16xf32>
      %get3A_49 = arith.index_cast %mul3A_42 : i32 to index
      %get3A_50 = tpu.vector_load %arg18[%get3A_49] {strides = array<i32>} : memref<10240xf32, #tpu.memory_space<vmem>>, vector<16xf32>,
      %add3A_51 = arith.addf %add3A_48, %get3A_50 : vector<16xf32>
      %mul3A_52 = arith.mulf %get3A_45, %add3A_51 : vector<16xf32>
      %neg3A = arith.constant 0.000000e+00 : f32
      %neg3A_53 = vector.broadcast %neg3A : f32 to vector<16xf32>
      %neg3A_54 = arith.subf %neg3A_53, %mul3A_52 : vector<16xf32>
      %min3A = arith.minimumf %mul3A_52, %neg3A_54 : vector<16xf32>
      %exp3A = math.exp %min3A : vector<16xf32>
      %add3A_55 = arith.constant 2.000000e+00 : f32
      %add3A_56 = vector.broadcast %add3A_55 : f32 to vector<16xf32>
      %add3A_57 = arith.addf %add3A_56, %exp3A : vector<16xf32>
      %div3A = arith.divf %exp3A, %add3A_57 : vector<16xf32>
      %mul3A_58 = arith.mulf %div3A, %div3A : vector<16xf32>
      %mul3A_59 = arith.constant 2.000000e+00 : f32
      %mul3A_60 = vector.broadcast %mul3A_59 : f32 to vector<16xf32>
      %mul3A_61 = arith.mulf %mul3A_60, %div3A : vector<16xf32>
      %mul3A_62 = vector.broadcast %scan3A_26 : f32 to vector<16xf32>
      %mul3A_63 = arith.mulf %mul3A_58, %mul3A_62 : vector<16xf32>
      %add3A_64 = vector.broadcast %scan3A_27 : f32 to vector<16xf32>
      %add3A_65 = arith.addf %add3A_64, %mul3A_63 : vector<16xf32>
      %mul3A_66 = arith.mulf %mul3A_58, %add3A_65 : vector<16xf32>
      %add3A_67 = vector.broadcast %scan3A_28 : f32 to vector<16xf32>
      %add3A_68 = arith.addf %add3A_67, %mul3A_66 : vector<16xf32>
      %mul3A_69 = arith.mulf %mul3A_58, %add3A_68 : vector<16xf32>
      %add3A_70 = arith.constant 1.000000e+00 : f32
      %add3A_71 = vector.broadcast %add3A_70 : f32 to vector<16xf32>
      %add3A_72 = arith.addf %add3A_71, %mul3A_69 : vector<16xf32>
      %mul3A_73 = arith.mulf %mul3A_61, %add3A_72 : vector<16xf32>
      %min3A_74 = arith.constant 0.000000e+00 : f32
      %min3A_75 = vector.broadcast %min3A_74 : f32 to vector<16xf32>
      %min3A_76 = arith.minimumf %mul3A_52, %min3A_75 : vector<16xf32>
      %sub3A = arith.subf %min3A_76, %mul3A_73 : vector<16xf32>
      %eq3A = arith.constant 49999 : i32
      %eq3A_77 = vector.broadcast %eq3A : i32 to vector<16xi32>
      %eq3A_78 = arith.cmpi eq, %get3A_43, %eq3A_77 : vector<16xi32>
      %jit3A = arith.constant 0.000000e+00 : f32
      %broadcast_in_dim3A_79 = vector.broadcast %jit3A : f32 to vector<16xf32>
      %select_n3A = arith.select %eq3A_78, %broadcast_in_dim3A_79, %sub3A : vector<16xi1>, vector<16xf32>
      %swap3A = arith.index_cast %mul3A_42 : i32 to index
      %swap3A_80 = tpu.vector_load %arg17[%swap3A] {strides = array<i32>} : memref<10240xf32, #tpu.memory_space<vmem>>, vector<16xf32>,
      tpu.vector_store %arg17[%swap3A], %select_n3A {strides = array<i32>} : memref<10240xf32, #tpu.memory_space<vmem>>, vector<16xf32>,
    }
    %scan3A_33 = arith.constant 640 : i32
    %scan3A_34 = arith.constant 0 : i32
    %scan3A_35 = arith.constant 0 : i32
    %scan3A_36 = arith.constant 32 : i32
    %scan3A_37 = arith.addi %scan3A_35, %scan3A_36 : i32
    %scan3A_38 = arith.constant 1 : i32
    scf.for %scan3A_40 = %scan3A_35 to %scan3A_37 step %scan3A_38  : i32 {
      %mul3A_41 = arith.constant 16 : i32
      %mul3A_42 = arith.muli %scan3A_40, %mul3A_41 : i32
      %add3A_43 = vector.broadcast %mul3A_42 : i32 to vector<16xi32>
      %add3A_44 = arith.addi %add3A_43, %iota3A : vector<16xi32>
      %mul3A_45 = arith.constant 20 : i32
      %mul3A_46 = vector.broadcast %mul3A_45 : i32 to vector<16xi32>
      %mul3A_47 = arith.muli %add3A_44, %mul3A_46 : vector<16xi32>
      %broadcast_in_dim3A_48 = arith.constant 0.000000e+00 : f32
      %broadcast_in_dim3A_49 = vector.broadcast %broadcast_in_dim3A_48 : f32 to vector<16xf32>
      %add3A_50 = arith.constant 0 : i32
      %add3A_51 = vector.broadcast %add3A_50 : i32 to vector<16xi32>
      %add3A_52 = arith.addi %mul3A_47, %add3A_51 : vector<16xi32>
      %gather3A = tpu.vector_load_idx %arg17[%add3A_52] : memref<10240xf32, #tpu.memory_space<vmem>>[vector<16xi32>], vector<16xf32>,
      %add3A_53 = arith.addf %broadcast_in_dim3A_49, %gather3A : vector<16xf32>
      %add3A_54 = arith.constant 1 : i32
      %add3A_55 = vector.broadcast %add3A_54 : i32 to vector<16xi32>
      %add3A_56 = arith.addi %mul3A_47, %add3A_55 : vector<16xi32>
      %gather3A_57 = tpu.vector_load_idx %arg17[%add3A_56] : memref<10240xf32, #tpu.memory_space<vmem>>[vector<16xi32>], vector<16xf32>,
      %add3A_58 = arith.addf %add3A_53, %gather3A_57 : vector<16xf32>
      %add3A_59 = arith.constant 2 : i32
      %add3A_60 = vector.broadcast %add3A_59 : i32 to vector<16xi32>
      %add3A_61 = arith.addi %mul3A_47, %add3A_60 : vector<16xi32>
      %gather3A_62 = tpu.vector_load_idx %arg17[%add3A_61] : memref<10240xf32, #tpu.memory_space<vmem>>[vector<16xi32>], vector<16xf32>,
      %add3A_63 = arith.addf %add3A_58, %gather3A_62 : vector<16xf32>
      %add3A_64 = arith.constant 3 : i32
      %add3A_65 = vector.broadcast %add3A_64 : i32 to vector<16xi32>
      %add3A_66 = arith.addi %mul3A_47, %add3A_65 : vector<16xi32>
      %gather3A_67 = tpu.vector_load_idx %arg17[%add3A_66] : memref<10240xf32, #tpu.memory_space<vmem>>[vector<16xi32>], vector<16xf32>,
      %add3A_68 = arith.addf %add3A_63, %gather3A_67 : vector<16xf32>
      %add3A_69 = arith.constant 4 : i32
      %add3A_70 = vector.broadcast %add3A_69 : i32 to vector<16xi32>
      %add3A_71 = arith.addi %mul3A_47, %add3A_70 : vector<16xi32>
      %gather3A_72 = tpu.vector_load_idx %arg17[%add3A_71] : memref<10240xf32, #tpu.memory_space<vmem>>[vector<16xi32>], vector<16xf32>,
      %add3A_73 = arith.addf %add3A_68, %gather3A_72 : vector<16xf32>
      %add3A_74 = arith.constant 5 : i32
      %add3A_75 = vector.broadcast %add3A_74 : i32 to vector<16xi32>
      %add3A_76 = arith.addi %mul3A_47, %add3A_75 : vector<16xi32>
      %gather3A_77 = tpu.vector_load_idx %arg17[%add3A_76] : memref<10240xf32, #tpu.memory_space<vmem>>[vector<16xi32>], vector<16xf32>,
      %add3A_78 = arith.addf %add3A_73, %gather3A_77 : vector<16xf32>
      %add3A_79 = arith.constant 6 : i32
      %add3A_80 = vector.broadcast %add3A_79 : i32 to vector<16xi32>
      %add3A_81 = arith.addi %mul3A_47, %add3A_80 : vector<16xi32>
      %gather3A_82 = tpu.vector_load_idx %arg17[%add3A_81] : memref<10240xf32, #tpu.memory_space<vmem>>[vector<16xi32>], vector<16xf32>,
      %add3A_83 = arith.addf %add3A_78, %gather3A_82 : vector<16xf32>
      %add3A_84 = arith.constant 7 : i32
      %add3A_85 = vector.broadcast %add3A_84 : i32 to vector<16xi32>
      %add3A_86 = arith.addi %mul3A_47, %add3A_85 : vector<16xi32>
      %gather3A_87 = tpu.vector_load_idx %arg17[%add3A_86] : memref<10240xf32, #tpu.memory_space<vmem>>[vector<16xi32>], vector<16xf32>,
      %add3A_88 = arith.addf %add3A_83, %gather3A_87 : vector<16xf32>
      %add3A_89 = arith.constant 8 : i32
      %add3A_90 = vector.broadcast %add3A_89 : i32 to vector<16xi32>
      %add3A_91 = arith.addi %mul3A_47, %add3A_90 : vector<16xi32>
      %gather3A_92 = tpu.vector_load_idx %arg17[%add3A_91] : memref<10240xf32, #tpu.memory_space<vmem>>[vector<16xi32>], vector<16xf32>,
      %add3A_93 = arith.addf %add3A_88, %gather3A_92 : vector<16xf32>
      %add3A_94 = arith.constant 9 : i32
      %add3A_95 = vector.broadcast %add3A_94 : i32 to vector<16xi32>
      %add3A_96 = arith.addi %mul3A_47, %add3A_95 : vector<16xi32>
      %gather3A_97 = tpu.vector_load_idx %arg17[%add3A_96] : memref<10240xf32, #tpu.memory_space<vmem>>[vector<16xi32>], vector<16xf32>,
      %add3A_98 = arith.addf %add3A_93, %gather3A_97 : vector<16xf32>
      %add3A_99 = arith.constant 10 : i32
      %add3A_100 = vector.broadcast %add3A_99 : i32 to vector<16xi32>
      %add3A_101 = arith.addi %mul3A_47, %add3A_100 : vector<16xi32>
      %gather3A_102 = tpu.vector_load_idx %arg17[%add3A_101] : memref<10240xf32, #tpu.memory_space<vmem>>[vector<16xi32>], vector<16xf32>,
      %add3A_103 = arith.addf %add3A_98, %gather3A_102 : vector<16xf32>
      %add3A_104 = arith.constant 11 : i32
      %add3A_105 = vector.broadcast %add3A_104 : i32 to vector<16xi32>
      %add3A_106 = arith.addi %mul3A_47, %add3A_105 : vector<16xi32>
      %gather3A_107 = tpu.vector_load_idx %arg17[%add3A_106] : memref<10240xf32, #tpu.memory_space<vmem>>[vector<16xi32>], vector<16xf32>,
      %add3A_108 = arith.addf %add3A_103, %gather3A_107 : vector<16xf32>
      %add3A_109 = arith.constant 12 : i32
      %add3A_110 = vector.broadcast %add3A_109 : i32 to vector<16xi32>
      %add3A_111 = arith.addi %mul3A_47, %add3A_110 : vector<16xi32>
      %gather3A_112 = tpu.vector_load_idx %arg17[%add3A_111] : memref<10240xf32, #tpu.memory_space<vmem>>[vector<16xi32>], vector<16xf32>,
      %add3A_113 = arith.addf %add3A_108, %gather3A_112 : vector<16xf32>
      %add3A_114 = arith.constant 13 : i32
      %add3A_115 = vector.broadcast %add3A_114 : i32 to vector<16xi32>
      %add3A_116 = arith.addi %mul3A_47, %add3A_115 : vector<16xi32>
      %gather3A_117 = tpu.vector_load_idx %arg17[%add3A_116] : memref<10240xf32, #tpu.memory_space<vmem>>[vector<16xi32>], vector<16xf32>,
      %add3A_118 = arith.addf %add3A_113, %gather3A_117 : vector<16xf32>
      %add3A_119 = arith.constant 14 : i32
      %add3A_120 = vector.broadcast %add3A_119 : i32 to vector<16xi32>
      %add3A_121 = arith.addi %mul3A_47, %add3A_120 : vector<16xi32>
      %gather3A_122 = tpu.vector_load_idx %arg17[%add3A_121] : memref<10240xf32, #tpu.memory_space<vmem>>[vector<16xi32>], vector<16xf32>,
      %add3A_123 = arith.addf %add3A_118, %gather3A_122 : vector<16xf32>
      %add3A_124 = arith.constant 15 : i32
      %add3A_125 = vector.broadcast %add3A_124 : i32 to vector<16xi32>
      %add3A_126 = arith.addi %mul3A_47, %add3A_125 : vector<16xi32>
      %gather3A_127 = tpu.vector_load_idx %arg17[%add3A_126] : memref<10240xf32, #tpu.memory_space<vmem>>[vector<16xi32>], vector<16xf32>,
      %add3A_128 = arith.addf %add3A_123, %gather3A_127 : vector<16xf32>
      %add3A_129 = arith.constant 16 : i32
      %add3A_130 = vector.broadcast %add3A_129 : i32 to vector<16xi32>
      %add3A_131 = arith.addi %mul3A_47, %add3A_130 : vector<16xi32>
      %gather3A_132 = tpu.vector_load_idx %arg17[%add3A_131] : memref<10240xf32, #tpu.memory_space<vmem>>[vector<16xi32>], vector<16xf32>,
      %add3A_133 = arith.addf %add3A_128, %gather3A_132 : vector<16xf32>
      %add3A_134 = arith.constant 17 : i32
      %add3A_135 = vector.broadcast %add3A_134 : i32 to vector<16xi32>
      %add3A_136 = arith.addi %mul3A_47, %add3A_135 : vector<16xi32>
      %gather3A_137 = tpu.vector_load_idx %arg17[%add3A_136] : memref<10240xf32, #tpu.memory_space<vmem>>[vector<16xi32>], vector<16xf32>,
      %add3A_138 = arith.addf %add3A_133, %gather3A_137 : vector<16xf32>
      %add3A_139 = arith.constant 18 : i32
      %add3A_140 = vector.broadcast %add3A_139 : i32 to vector<16xi32>
      %add3A_141 = arith.addi %mul3A_47, %add3A_140 : vector<16xi32>
      %gather3A_142 = tpu.vector_load_idx %arg17[%add3A_141] : memref<10240xf32, #tpu.memory_space<vmem>>[vector<16xi32>], vector<16xf32>,
      %add3A_143 = arith.addf %add3A_138, %gather3A_142 : vector<16xf32>
      %add3A_144 = arith.constant 19 : i32
      %add3A_145 = vector.broadcast %add3A_144 : i32 to vector<16xi32>
      %add3A_146 = arith.addi %mul3A_47, %add3A_145 : vector<16xi32>
      %gather3A_147 = tpu.vector_load_idx %arg17[%add3A_146] : memref<10240xf32, #tpu.memory_space<vmem>>[vector<16xi32>], vector<16xf32>,
      %add3A_148 = arith.addf %add3A_143, %gather3A_147 : vector<16xf32>
      %mul3A_149 = arith.constant 16 : i32
      %mul3A_150 = arith.muli %scan3A_40, %mul3A_149 : i32
      %swap3A = arith.index_cast %mul3A_150 : i32 to index
      %swap3A_151 = tpu.vector_load %arg19[%swap3A] {strides = array<i32>} : memref<512xf32, #tpu.memory_space<vmem>>, vector<16xf32>,
      tpu.vector_store %arg19[%swap3A], %add3A_148 {strides = array<i32>} : memref<512xf32, #tpu.memory_space<vmem>>, vector<16xf32>,
    }
    %scan3A_39 = arith.constant 32 : i32
    "tpu.region"() ({
      %run_scoped3A = tpu.sem_alloc : memref<!tpu.dma_semaphore, #tpu.memory_space<semaphore_mem>>
      %dma_start3A_40 = tpu.memref_slice %arg9[%mul3A_2] : memref<16384xf32, #tpu.memory_space<hbm>> -> memref<512xf32, #tpu.memory_space<hbm>>
      %dma_start3A_41 = tpu.memref_slice %arg9[%mul3A_2] : memref<16384xf32, #tpu.memory_space<hbm>> -> memref<512xf32, #tpu.memory_space<hbm>>
      tpu.enqueue_dma source(%arg19 : memref<512xf32, #tpu.memory_space<vmem>>) target(%dma_start3A_41 : memref<512xf32, #tpu.memory_space<hbm>>) target_semaphore(%run_scoped3A : memref<!tpu.dma_semaphore, #tpu.memory_space<semaphore_mem>>)
      %dma_wait3A_42 = tpu.memref_slice %arg9[%mul3A_2] : memref<16384xf32, #tpu.memory_space<hbm>> -> memref<512xf32, #tpu.memory_space<hbm>>
      %dma_wait3A_43 = tpu.memref_slice %arg9[%mul3A_2] : memref<16384xf32, #tpu.memory_space<hbm>> -> memref<512xf32, #tpu.memory_space<hbm>>
      tpu.wait_dma2 semaphore(%run_scoped3A : memref<!tpu.dma_semaphore, #tpu.memory_space<semaphore_mem>>) src(%arg19 : memref<512xf32, #tpu.memory_space<vmem>>) dst(%dma_wait3A_43 : memref<512xf32, #tpu.memory_space<hbm>>)
      tpu.yield
    }) : () -> ()
    return
  }
}

</mosaic_0001>

<sc_bundles>
// kernel: kernel.3.cloned.1.call-start
scs
__scs_entry_jumppad:
0x0: {  	(pc) =	sbr.rel $0x88, $3  }
0x1: {  	(tag) =	ssettag $0x0;
	lr =	simm.s32 $0x1  }
0x2: {  	[smem:$0x3F9A] =	sst lr;
	_ =	strace $0xD0000000  }
0x3: {  	_ = 	snop  }
0x4: {  	_ = 	snop  }
0x5: {  	_ = 	snop  }
0x6: {  	_ = 	snop  }
0x7: {  	_ = 	snop  }
__scs_overlays_trampoline_lowered:
0x8: {  	[smem:$0x3FA9] =	sst s0  }
0x9: {  	[smem:$0x3FAA] =	sst s1  }
0xa: {  	[smem:$0x3FAB] =	sst s2  }
0xb: {  	[smem:$0x3FAC] =	sst s3  }
0xc: {  	[smem:$0x3FAD] =	sst s4  }
0xd: {  	[smem:$0x3FAE] =	sst s5  }
0xe: {  	[smem:$0x3FAF] =	sst s6  }
0xf: {  	[smem:$0x3FB0] =	sst s7  }
0x10: {  	[smem:$0x3FB1] =	sst s8  }
0x11: {  	[smem:$0x3FB2] =	sst s9;
	s0 =	simm.s32 @!p0 $0x0  }
0x12: {  	s1 =	sld [smem:$0x3F98];
	s0 =	simm.s32 @p0 $0x1  }
0x13: {  	[smem:$0x3FB3] =	sst s0;
	s0 =	simm.s32 @!p1 $0x0  }
0x14: {  	s2 =	sld [smem:$0x3F97];
	s0 =	simm.s32 @p1 $0x1  }
0x15: {  	[smem:$0x3FB4] =	sst s0;
	s0 =	simm.s32 @!p2 $0x0  }
0x16: {  	s3 =	sld [smem:$0x3FDB];
	s0 =	simm.s32 @p2 $0x1  }
0x17: {  	s4 =	simm.s32 $0x1BF5;
	[smem:$0x3FB6] =	sst s0  }
0x18: {  	s0 =	sld [smem:$0x3F99];
	_ =	swait.ge [sflag:s4], $0x0  }
0x19: {  	s7 =	sld [smem:$0x3F9A]  }
0x1a: {  	s8 =	sadd.s32 $0xFFFFE003, lr  }
0x1b: {  	s9 =	sadd.s32 $0xFFFFFEF7, lr;
	s5 =	simm.s32 $0xFFFFFFFF;
	p2 =	slt.u32 s8, $0xFFFFF086  }
0x1c: {  	p1 =	slt.u32 s9, $0xF7A;
	s5 =	simm.s32 @!p2 $0x0  }
0x1d: {  	s5 =	simm.s32 @p1 $0x1;
	p0 =	seq.s32 s7, s2  }
0x1e: {  	s7 =	smul.u32 @!p0 $0xF7A, s2;
	p2 =	seq.s32 @!p0 s5, $0x0  }
0x1f: {  	s9 =	smul.u32 $0xF7A, s1;
	s8 =	simm.s32 @!p0 $0x1BF5;
	p2 =	por !p2, p0  }
0x20: {  	[sflag:s8] =	ssyncset.s32 @!p0 $0xFFFFF086;
	s6 =	sadd.s32 @!p0 s3, s7;
	s7 =	simm.s32 @!p0 $0x108  }
0x21: {  	s3 =	sadd.s32 s3, s9;
	s6 =	sadd.s32 @!p0 $0x88, s6;
	s7 =	simm.s32 @p2 $0x1082  }
0x22: {  	[simem:s7], [sflag:s8] =	dma.local @!p0 [hbm:s6], $0xF7A  }
0x23: {  	s9 =	sor.u32 $0xD0000000, s2;
	s6 =	simm.s32 $0x108;
	_ =	swait.ge @!p0 [sflag:s8], $0x0  }
0x24: {  	s3 =	sadd.s32 $0x88, s3;
	s6 =	simm.s32 @!p1 $0x1082;
	[sflag:s4] =	ssyncset.s32 $0xFFFFF086  }
0x25: {  	[simem:s6], [sflag:s4] =	dma.local [hbm:s3], $0xF7A  }
0x26: {  	[smem:$0x3F9A] =	sst s1;
	(tag) =	ssettag s2;
	_ =	strace s9  }
0x27: {  	s1 =	sld [smem:$0x3FAA]  }
0x28: {  	s2 =	sld [smem:$0x3FAB]  }
0x29: {  	s4 =	sld [smem:$0x3FAD]  }
0x2a: {  	p0 =	seq.s32 s5, $0x0;
	s5 =	sld [smem:$0x3FAE]  }
0x2b: {  	s6 =	sld [smem:$0x3FAF]  }
0x2c: {  	s7 =	sld [smem:$0x3FB0]  }
0x2d: {  	s3 =	simm.s32 $0x108;
	s8 =	sld [smem:$0x3FB1]  }
0x2e: {  	s3 =	simm.s32 @!p0 $0x1082;
	s9 =	sld [smem:$0x3FB2]  }
0x2f: {  	lr =	sadd.s32 s0, s3;
	s0 =	sld [smem:$0x3FA9]  }
0x30: {  	s3 =	sld [smem:$0x3FAC]  }
0x31: {  	[smem:$0x3FB5] =	sst s10  }
0x32: {  	s10 =	sld [smem:$0x3FB3];
	_ =	sdelay $0x3  }
0x33: {  	p0 =	seq.s32 s10, $0x1;
	s10 =	sld [smem:$0x3FB5];
	_ =	sdelay $0x3  }
0x34: {  	[smem:$0x3FB5] =	sst s10  }
0x35: {  	s10 =	sld [smem:$0x3FB4];
	_ =	sdelay $0x3  }
0x36: {  	p1 =	seq.s32 s10, $0x1;
	s10 =	sld [smem:$0x3FB5];
	_ =	sdelay $0x3  }
0x37: {  	[smem:$0x3FB5] =	sst s10  }
0x38: {  	s10 =	sld [smem:$0x3FB6]  }
0x39: {  	_ = 	snop;
	(pc) =	sbr.ind lr, $3  }
0x3a: {  	_ = 	snop  }
0x3b: {  	_ = 	snop  }
0x3c: {  	p2 =	seq.s32 s10, $0x1;
	s10 =	sld [smem:$0x3FB5]  }
0x3d: {  	_ =	shalt  }
0x3e: {  	_ =	shalt  }
0x3f: {  	_ =	shalt  }
0x40: {  	_ =	shalt  }
0x41: {  	_ =	shalt  }
0x42: {  	_ =	shalt  }
0x43: {  	_ =	shalt  }
0x44: {  	_ =	shalt  }
0x45: {  	_ =	shalt  }
0x46: {  	_ =	shalt  }
0x47: {  	_ =	shalt  }
0x48: {  	_ =	shalt  }
0x49: {  	_ =	shalt  }
0x4a: {  	_ =	shalt  }
0x4b: {  	_ =	shalt  }
0x4c: {  	_ =	shalt  }
0x4d: {  	_ =	shalt  }
0x4e: {  	_ =	shalt  }
0x4f: {  	_ =	shalt  }
0x50: {  	_ =	shalt  }
0x51: {  	_ =	shalt  }
0x52: {  	_ =	shalt  }
0x53: {  	_ =	shalt  }
0x54: {  	_ =	shalt  }
0x55: {  	_ =	shalt  }
0x56: {  	_ =	shalt  }
0x57: {  	_ =	shalt  }
0x58: {  	_ =	shalt  }
0x59: {  	_ =	shalt  }
0x5a: {  	_ =	shalt  }
0x5b: {  	_ =	shalt  }
0x5c: {  	_ =	shalt  }
0x5d: {  	_ =	shalt  }
0x5e: {  	_ =	shalt  }
0x5f: {  	_ =	shalt  }
0x60: {  	_ =	shalt  }
0x61: {  	_ =	shalt  }
0x62: {  	_ =	shalt  }
0x63: {  	_ =	shalt  }
0x64: {  	_ =	shalt  }
0x65: {  	_ =	shalt  }
0x66: {  	_ =	shalt  }
0x67: {  	_ =	shalt  }
0x68: {  	_ =	shalt  }
0x69: {  	_ =	shalt  }
0x6a: {  	_ =	shalt  }
0x6b: {  	_ =	shalt  }
0x6c: {  	_ =	shalt  }
0x6d: {  	_ =	shalt  }
0x6e: {  	_ =	shalt  }
0x6f: {  	_ =	shalt  }
0x70: {  	_ =	shalt  }
0x71: {  	_ =	shalt  }
0x72: {  	_ =	shalt  }
0x73: {  	_ =	shalt  }
0x74: {  	_ =	shalt  }
0x75: {  	_ =	shalt  }
0x76: {  	_ =	shalt  }
0x77: {  	_ =	shalt  }
0x78: {  	_ =	shalt  }
0x79: {  	_ =	shalt  }
0x7a: {  	_ =	shalt  }
0x7b: {  	_ =	shalt  }
0x7c: {  	_ =	shalt  }
0x7d: {  	_ =	shalt  }
0x7e: {  	_ =	shalt  }
0x7f: {  	_ =	shalt  }
0x80: {  	_ =	shalt  }
0x81: {  	_ =	shalt  }
0x82: {  	_ =	shalt  }
0x83: {  	_ =	shalt  }
0x84: {  	_ =	shalt  }
0x85: {  	_ =	shalt  }
0x86: {  	_ =	shalt  }
0x87: {  	_ =	shalt  }
.Lfunc_end0:
.L_simem_size_0:
called_computation_lowered:
.L_overlay_start_0:
0x88: {  	s2 =	sld [smem:$0x3FD9]  }
0x89: {  	s3 =	sld [smem:$0x3FFE];
	_ =	sdelay $0x1  }
0x8a: {  	s1 =	srdreg.scid  }
0x8b: {  	s0 =	sand.u32 $0x1, s1  }
0x8c: {  	s17 =	sshll.u32 s0, $0xA;
	s2 =	sadd.s32 s3, s2  }
0x8d: {  	s2 =	sadd.s32 s2, s17  }
0x8e: {  	[smem:$0x3FC1] =	sst s2  }
0x8f: {  	_ = 	snop  }
0x90: {  	s2 =	sld [smem:$0x3FC9]  }
0x91: {  	s18 =	sld [smem:$0x3FC8]  }
0x92: {  	s4 =	sld [smem:$0x3FC5]  }
0x93: {  	s5 =	sld [smem:$0x3FD0];
	(tm) =	ssettm $0x1  }
0x94: {  	s6 =	sld [smem:$0x3FFB];
	_ =	sdelay $0x3  }
0x95: {  	_ =	strace s6  }
0x96: {  	s6 =	sld [smem:$0x3FFC];
	_ =	sdelay $0x3  }
0x97: {  	_ =	strace s6  }
0x98: {  	s6 =	sld [smem:$0x3FFD];
	_ =	sdelay $0x3  }
0x99: {  	_ =	strace s6  }
0x9a: {  	_ =	strace $0x8FFFFFFF  }
0x9b: {  	s19 =	sld [smem:$0x3FDB];
	_ =	sdelay $0x1  }
0x9c: {  	s7 =	simm.s32 $_scs_section_size  }
0x9d: {  	s8 =	simm.s32 $_size__tile_overlayer_lowered;
	s9 =	simm.s32 $_tile_overlayer_lowered  }
0x9e: {  	s22 =	simm.s32 $0x1BFF;
	s21 =	sshll.u32 s9, $0x1;
	s6 =	sadd.s32 s7, s19  }
0x9f: {  	s10 =	simm.s32 $0x0;
	s20 =	sshll.u32 s8, $0x1;
	s8 =	sadd.s32 s21, s6  }
0xa0: {  	[timem:s10], [sflag:s22] =	dma.local [hbm:s8], s20  }
0xa1: {  	_ =	swait.ge [sflag:s22], s20  }
0xa2: {  	s7 =	ssub.s32 $0x0, s20;
	[sflag:s22] =	ssyncset.done $0x0  }
0xa3: {  	[sflag:s22] =	ssyncadd.s32 s7;
	_ =	sdelay $0x1  }
0xa4: {  	s23 =	simm.s32 $0x1B8B  }
0xa5: {  	_ =	swait.ge [sflag:s23], $0x1  }
0xa6: {  	[sflag:s23] =	ssyncset.done $0x0  }
0xa7: {  	s25 =	simm.s32 $0x1B8E;
	s24 =	sld [smem:$0x3FFE];
	[sflag:s23] =	ssyncadd.s32 $0xFFFFFFFF  }
0xa8: {  	s26 =	simm.s32 $execute0_lowered;
	[smem:$0x3FD2] =	sst s25  }
0xa9: {  	s8 =	sshll.u32 s26, $0x1;
	_ =	strace $0x80000046;
	[dreg:$0x1] =	wrdreg $0xFFFFFFFF  }
0xaa: {  	s28 =	simm.s32 $_size_execute0_lowered;
	s6 =	sadd.s32 s6, s8;
	[dreg:$0x0] =	wrdreg $0x0  }
0xab: {  	s8 =	sshll.u32 s28, $0x1;
	[dreg:$0x2] =	wrdreg s6  }
0xac: {  	[dreg:$0x3] =	wrdreg s8  }
0xad: {  	[dreg:$0x4] =	wrdreg $0xC0  }
0xae: {  	_ =	task [dreg:s10], $0x5FFFF  }
0xaf: {  	[dreg:$0x1] =	wrdreg $0xFFFFFFFF  }
0xb0: {  	[dreg:$0x0] =	wrdreg $0x60  }
0xb1: {  	[dreg:$0x2] =	wrdreg s2  }
0xb2: {  	[dreg:$0x3] =	wrdreg s18  }
0xb3: {  	[dreg:$0x4] =	wrdreg s24  }
0xb4: {  	[dreg:$0x5] =	wrdreg s4  }
0xb5: {  	[dreg:$0x6] =	wrdreg s5  }
0xb6: {  	[dreg:$0x7] =	wrdreg $0x9  }
0xb7: {  	_ =	task.clear_ibuf [dreg:s10], $0x8FFFF;
	_ =	strace $0x90000046  }
0xb8: {  	s29 =	simm.s32 $0x9;
	_ =	strace $0x80000048  }
0xb9: {  	_ =	swait.ge [sflag:s29], $0x1  }
0xba: {  	[sflag:s29] =	ssyncadd.s32 $0xFFFFFFFF  }
0xbb: {  	_ =	strace $0x90000048  }
0xbc: {  	_ =	sfence  }
0xbd: {  	s30 =	sld [smem:$0x0];
	_ =	sdelay $0x2  }
0xbe: {  	s31 =	sshll.u32 s1, $0xD;
	s1 =	sshrl.u32 s1, $0x2  }
0xbf: {  	s3 =	sand.u32 $0x4000, s31;
	s1 =	sadd.s32 s1, s30  }
0xc0: {  	s0 =	sor.u32 s3, s0;
	s1 =	sshll.u32 s1, $0x11  }
0xc1: {  	s0 =	sor.u32 s1, s0  }
0xc2: {  	s0 =	sadd.s32 $0x8F2B, s0  }
0xc3: {  	[sflag:s0] =	ssyncadd.remote.s32 $0x1  }
0xc4: {  	_ =	sfence.sel $0xFFFF  }
0xc5: {  	[dreg:$0x0] =	wrdreg $0xFFFFFFFF;
	(pc) =	sbr.abs _section_cstart, $3  }
0xc6: {  	[dreg:$0x1] =	wrdreg $0xFFFFFFFF  }
0xc7: {  	_ =	task.clear_ibuf [dreg:s10], $0x2FFFF;
	_ =	strace $0x9FFFFFFF  }
0xc8: {  	(tm) =	ssettm $0x7FFFFFFF  }
0xc9: {  	_ =	shalt  }
tec
execute0_lowered:
.L_overlay_start_1:
0x0: {  	(tag) =	ssettag $0x1  }
0x1: {  	s0 =	rddreg [dreg:$0x0]  }
0x2: {  	s1 =	rddreg [dreg:$0x1]  }
0x3: {  	s2 =	rddreg [dreg:$0x2];
	s3 =	srdreg.scid  }
0x4: {  	s5 =	stileid.u32;
	s10 =	rddreg [dreg:$0x4];
	s12 =	simm.s32 $0x5400  }
0x5: {  	s14 =	simm.s32 $0x4;
	s15 =	simm.s32 $0x5000;
	s16 =	simm.s32 $0x5200  }
0x6: {  	s17 =	simm.s32 $0x200;
	s18 =	simm.s32 $0x11780;
	s19 =	simm.s32 $0x16780  }
0x7: {  	v0 =	vlaneseq.u32;
	s20 =	simm.s32 $0x13F80;
	s31 =	simm.s32 $0x11D80;
	s13 =	simm.s32 $0x1  }
0x8: {  	s21 =	simm.s32 $0x2;
	s22 =	simm.s32 $0x3;
	s23 =	simm.s32 $0x1B780;
	v1 =	vmul.u32 $0x14, v0  }
0x9: {  	s4 =	sand.u32 $0x1, s3;
	s5 =	sshll.u32 s5, $0x1;
	s3 =	simm.s32 $0x0  }
0xa: {  	s24 =	simm.s32 $0x0;
	s6 =	sor.u32 s4, s5;
	[smem:$0x7FF] =	sst s3;
	v2 =	vor.u32 $0x1, v1  }
0xb: {  	s7 =	ssub.s32 $0x2, s4;
	s4 =	sadd.s32 $0x15A00, s2;
	s5 =	smul.u32 $0x500, s6;
	v3 =	vor.u32 $0x2, v1;
	v4 =	vor.u32 $0x3, v1;
	v5 =	vadd.s32 $0x4, v1  }
0xc: {  	_ =	strace $0x80000047;
	s9 =	sshrl.u32 s7, $0x1;
	s11 =	sshll.u32 s6, $0x6;
	v6 =	vadd.s32 $0x5, v1;
	v7 =	vadd.s32 $0x6, v1;
	v8 =	vadd.s32 $0x7, v1  }
0xd: {  	v9 =	vadd.s32 $0x8, v1;
	v10 =	vadd.s32 $0x9, v1;
	v11 =	vadd.s32 $0xA, v1;
	s30 =	ssub.s32 s7, s9;
	s9 =	sadd.s32 s1, s11;
	s10 =	sadd.s32 s10, s11  }
0xe: {  	v12 =	vadd.s32 $0xB, v1;
	v13 =	vadd.s32 $0xC, v1;
	v14 =	vadd.s32 $0xD, v1;
	s1 =	simm.s32 $0x16D80;
	s8 =	sadd.s32 s5, s2;
	s5 =	sadd.s32 $0xAE400, s2  }
0xf: {  	v15 =	vadd.s32 $0xE, v1;
	v16 =	vadd.s32 $0xF, v1;
	v17 =	vadd.s32 $0x10, v1;
	s2 =	simm.s32 $0x19580;
	s6 =	sadd.s32 $0xBA00, s8;
	s7 =	sadd.s32 $0x1A00, s8  }
0x10: {  	v18 =	vadd.s32 $0x11, v1;
	v19 =	vadd.s32 $0x12, v1;
	v20 =	vadd.s32 $0x13, v1;
	s8 =	sadd.s32 s0, s11;
	s11 =	smax.u32 s30, $0x1;
	s0 =	simm.s32 $0x14580  }
.LBB2_1:
0x11: {  	s25 =	rddreg [dreg:$0x3]  }
0x12: {  	[tilespmem:s12], [sflag:$0x2] =	stream.linear.gather [hbm4b:s25+s3], $0xC380, $0x38;
	[tilespmem:$0x1B980] =	vst v63  }
0x13: {  	s30 =	simm.s32 $0x2800  }
0x14: {  	[tilespmem:s30], [sflag:$0x3] =	stream.linear.gather [hbm4b:s6+s3], $0x2800, $0x38;
	[tilespmem:$0x1B980] =	vst v63  }
0x15: {  	_ = 	snop  }
0x16: {  	[tilespmem:s3], [sflag:$0x4] =	stream.linear.gather [hbm4b:s7+s3], $0x2800, $0x38;
	[tilespmem:$0x1B980] =	vst v63  }
0x17: {  	_ =	swait.ge [sflag:s14], $0x2800  }
0x18: {  	[sflag:s14] =	ssyncset.done $0x0  }
0x19: {  	[sflag:s14] =	ssyncadd.s32 $0xFFFFD800  }
0x1a: {  	v21 =	vor.u32 s3, v0;
	[tilespmem:s15], [sflag:$0x4] =	stream.linear.gather [hbm4b:s8+s3], $0x200, $0x38;
	[tilespmem:$0x1B980] =	vst v63  }
0x1b: {  	v21 =	vmulhi.u32 $0xCCCCCCCD, v21;
	_ =	swait.ge [sflag:s14], $0x200  }
0x1c: {  	[sflag:s14] =	ssyncset.done $0x0  }
0x1d: {  	v21 =	vshrl.u32 v21, $0x4;
	[sflag:s14] =	ssyncadd.s32 $0xFFFFFE00  }
0x1e: {  	[tilespmem:s16], [sflag:$0x4] =	stream.linear.gather [hbm4b:s9+s3], $0x200, $0x38;
	[tilespmem:$0x1B980] =	vst v63  }
0x1f: {  	_ =	swait.ge [sflag:s14], $0x200  }
0x20: {  	[sflag:s14] =	ssyncset.done $0x0  }
0x21: {  	[sflag:s14] =	ssyncadd.s32 $0xFFFFFE00  }
0x22: {  	v22 =	vld.idx.msk [tilespmem:v21+s15+$0x0], $0xffff  }
0x23: {  	s25 =	simm.s32 $0x10;
	v21 =	vld.idx.msk [tilespmem:v21+s16+$0x0], $0xffff  }
0x24: {  	v23 =	vor.u32 s25, v0;
	v24 =	vld [tilespmem:s3+$0x0]  }
0x25: {  	v23 =	vmulhi.u32 $0xCCCCCCCD, v23;
	_ =	sdelay $0x1  }
0x26: {  	v23 =	vshrl.u32 v23, $0x4;
	v22 =	vmul.u32 $0xC350, v22  }
0x27: {  	v21 =	vmul.u32 $0xC350, v21  }
0x28: {  	v22 =	vadd.s32 v24, v22  }
0x29: {  	v21 =	vadd.s32 v24, v21;
	[tilespmem:s18+$0x0] =	vst v22  }
0x2a: {  	[tilespmem:s20+$0x0] =	vst v21  }
0x2b: {  	v22 =	vld.idx.msk [tilespmem:v23+s15+$0x0], $0xffff  }
0x2c: {  	s26 =	simm.s32 $0x20;
	v23 =	vld.idx.msk [tilespmem:v23+s16+$0x0], $0xffff  }
0x2d: {  	v24 =	vor.u32 s26, v0;
	v21 =	vld [tilespmem:s25+$0x0]  }
0x2e: {  	s29 =	simm.s32 $0x30;
	s28 =	simm.s32 $0x11780;
	s26 =	simm.s32 $0x13F80;
	v24 =	vmulhi.u32 $0xCCCCCCCD, v24  }
.LBB2_2:
0x2f: {  	p0 =	sne.s32 s29, $0x27F0  }
0x30: {  	v22 =	vmul.u32 $0xC350, v22;
	v24 =	vshrl.u32 v24, $0x4  }
0x31: {  	v23 =	vmul.u32 $0xC350, v23  }
0x32: {  	s28 =	sadd.s32 $0x10, s28;
	v22 =	vadd.s32 v21, v22  }
0x33: {  	s26 =	sadd.s32 $0x10, s26;
	v21 =	vadd.s32 v21, v23;
	[tilespmem:s28+$0x0] =	vst v22  }
0x34: {  	[tilespmem:s26+$0x0] =	vst v21  }
.Ltmp0:
0x35: {  	v22 =	vld.idx.msk [tilespmem:v24+s15+$0x0], $0xffff;
	(pc) =	sbr.rel @p0 .LBB2_2-.Ltmp0, $4  }
0x36: {  	v23 =	vld.idx.msk [tilespmem:v24+s16+$0x0], $0xffff  }
0x37: {  	s25 =	sadd.s32 $0x10, s25  }
0x38: {  	v24 =	vor.u32 s29, v0;
	v21 =	vld [tilespmem:s25+$0x0]  }
0x39: {  	s29 =	sadd.s32 $0x10, s29;
	v24 =	vmulhi.u32 $0xCCCCCCCD, v24  }
0x3a: {  	_ = 	snop  }
0x3b: {  	v22 =	vmul.u32 $0xC350, v22;
	v24 =	vshrl.u32 v24, $0x4  }
0x3c: {  	v23 =	vmul.u32 $0xC350, v23  }
0x3d: {  	s28 =	sadd.s32 $0x10, s28;
	v22 =	vadd.s32 v21, v22  }
0x3e: {  	s26 =	sadd.s32 $0x10, s26;
	v21 =	vadd.s32 v21, v23;
	[tilespmem:s28+$0x0] =	vst v22  }
0x3f: {  	[tilespmem:s26+$0x0] =	vst v21  }
0x40: {  	v21 =	vld.idx.msk [tilespmem:v24+s15+$0x0], $0xffff  }
0x41: {  	s25 =	sadd.s32 $0x10, s25;
	v22 =	vld.idx.msk [tilespmem:v24+s16+$0x0], $0xffff  }
0x42: {  	v23 =	vld [tilespmem:s25+$0x0];
	_ =	sdelay $0x2  }
0x43: {  	v21 =	vmul.u32 $0xC350, v21  }
0x44: {  	v22 =	vmul.u32 $0xC350, v22  }
0x45: {  	s28 =	sadd.s32 $0x10, s28;
	v21 =	vadd.s32 v23, v21  }
0x46: {  	s29 =	sadd.s32 $0x10, s26;
	[tilespmem:s28+$0x0] =	vst v21;
	v21 =	vadd.s32 v23, v22  }
0x47: {  	[tilespmem:s29+$0x0] =	vst v21  }
0x48: {  	[tilespmem:s19], [sflag:$0x1] =	stream.indirect.gather [hbm4b:s4+s17], $0x1, s18, s17, $0xb8;
	[tilespmem:$0x1B980] =	vst v63  }
0x49: {  	s30 =	simm.s32 $0x18F80  }
0x4a: {  	[tilespmem:s30], [sflag:$0x1] =	stream.indirect.gather [hbm4b:s5+s17], $0x1, s20, s17, $0xb8;
	[tilespmem:$0x1B980] =	vst v63  }
0x4b: {  	s26 =	simm.s32 $0x11980;
	s28 =	simm.s32 $0x16980  }
0x4c: {  	[tilespmem:s28], [sflag:$0x1] =	stream.indirect.gather [hbm4b:s4+s17], $0x1, s26, s17, $0xb8;
	[tilespmem:$0x1B980] =	vst v63  }
0x4d: {  	s29 =	simm.s32 $0x14180;
	s30 =	simm.s32 $0x19180  }
0x4e: {  	[tilespmem:s30], [sflag:$0x1] =	stream.indirect.gather [hbm4b:s5+s17], $0x1, s29, s17, $0xb8;
	[tilespmem:$0x1B980] =	vst v63  }
0x4f: {  	s26 =	simm.s32 $0x11B80;
	s28 =	simm.s32 $0x16B80  }
0x50: {  	[tilespmem:s28], [sflag:$0x1] =	stream.indirect.gather [hbm4b:s4+s17], $0x1, s26, s17, $0xb8;
	[tilespmem:$0x1B980] =	vst v63  }
0x51: {  	s29 =	simm.s32 $0x14380;
	s30 =	simm.s32 $0x19380  }
0x52: {  	[tilespmem:s30], [sflag:$0x1] =	stream.indirect.gather [hbm4b:s5+s17], $0x1, s29, s17, $0xb8;
	[tilespmem:$0x1B980] =	vst v63  }
0x53: {  	_ = 	snop  }
0x54: {  	[tilespmem:s1], [sflag:$0x1] =	stream.indirect.gather [hbm4b:s4+s17], $0x1, s31, s17, $0xb8;
	[tilespmem:$0x1B980] =	vst v63  }
0x55: {  	_ = 	snop  }
0x56: {  	[tilespmem:s2], [sflag:$0x1] =	stream.indirect.gather [hbm4b:s5+s17], $0x1, s0, s17, $0xb8;
	[tilespmem:$0x1B980] =	vst v63  }
0x57: {  	s26 =	simm.s32 $0x16F80;
	s28 =	simm.s32 $0x11F80  }
0x58: {  	[tilespmem:s26], [sflag:$0x1] =	stream.indirect.gather [hbm4b:s4+s17], $0x1, s28, s17, $0xb8;
	[tilespmem:$0x1B980] =	vst v63  }
0x59: {  	s29 =	simm.s32 $0x19780;
	s30 =	simm.s32 $0x14780  }
0x5a: {  	[tilespmem:s29], [sflag:$0x1] =	stream.indirect.gather [hbm4b:s5+s17], $0x1, s30, s17, $0xb8;
	[tilespmem:$0x1B980] =	vst v63  }
0x5b: {  	_ =	swait.ge [sflag:s13], $0x200  }
0x5c: {  	[sflag:s13] =	ssyncset.done $0x0  }
0x5d: {  	[sflag:s13] =	ssyncadd.s32 $0xFFFFFE00  }
0x5e: {  	_ =	swait.ge [sflag:s13], $0x200  }
0x5f: {  	s25 =	simm.s32 $0x200;
	s26 =	simm.s32 $0x1000;
	[sflag:s13] =	ssyncset.done $0x0  }
.LBB2_4:
0x60: {  	s28 =	sadd.s32 $0x16F80, s25;
	s29 =	sadd.s32 $0x11F80, s25  }
0x61: {  	[sflag:s13] =	ssyncadd.s32 $0xFFFFFE00;
	s30 =	smov.u32 s26;
	p0 =	sne.s32 s26, $0x7800  }
0x62: {  	[tilespmem:s28], [sflag:$0x1] =	stream.indirect.gather [hbm4b:s4+s17], $0x1, s29, s17, $0xb8;
	[tilespmem:$0x1B980] =	vst v63  }
0x63: {  	s28 =	sadd.s32 $0x800, s26;
	s29 =	sadd.s32 $0x19780, s25;
	s25 =	sadd.s32 $0x14780, s25  }
0x64: {  	[tilespmem:s29], [sflag:$0x1] =	stream.indirect.gather [hbm4b:s5+s17], $0x1, s25, s17, $0xb8;
	[tilespmem:$0x1B980] =	vst v63  }
.Ltmp1:
0x65: {  	_ =	swait.ge [sflag:s13], $0x200;
	(pc) =	sbr.rel @p0 .LBB2_4-.Ltmp1, $4  }
0x66: {  	[sflag:s13] =	ssyncset.done $0x0  }
0x67: {  	[sflag:s13] =	ssyncadd.s32 $0xFFFFFE00  }
0x68: {  	_ =	swait.ge [sflag:s13], $0x200  }
0x69: {  	s26 =	smov.u32 s28;
	s25 =	sshra.s32 s30, $0x2;
	[sflag:s13] =	ssyncset.done $0x0  }
0x6a: {  	s26 =	sadd.s32 $0x16F80, s25;
	s28 =	sadd.s32 $0x11F80, s25;
	[sflag:s13] =	ssyncadd.s32 $0xFFFFFE00  }
0x6b: {  	[tilespmem:s26], [sflag:$0x1] =	stream.indirect.gather [hbm4b:s4+s17], $0x1, s28, s17, $0xb8;
	[tilespmem:$0x1B980] =	vst v63  }
0x6c: {  	s30 =	sadd.s32 $0x14780, s25;
	s26 =	sadd.s32 $0x19780, s25  }
0x6d: {  	[tilespmem:s26], [sflag:$0x1] =	stream.indirect.gather [hbm4b:s5+s17], $0x1, s30, s17, $0xb8;
	[tilespmem:$0x1B980] =	vst v63  }
0x6e: {  	_ =	swait.ge [sflag:s13], $0x200  }
0x6f: {  	[sflag:s13] =	ssyncset.done $0x0  }
0x70: {  	[sflag:s13] =	ssyncadd.s32 $0xFFFFFE00  }
0x71: {  	_ =	swait.ge [sflag:s13], $0x200  }
0x72: {  	[sflag:s13] =	ssyncset.done $0x0  }
0x73: {  	[sflag:s13] =	ssyncadd.s32 $0xFFFFFE00  }
0x74: {  	_ =	swait.ge [sflag:s13], $0x200  }
0x75: {  	[sflag:s13] =	ssyncset.done $0x0  }
0x76: {  	[sflag:s13] =	ssyncadd.s32 $0xFFFFFE00  }
0x77: {  	_ =	swait.ge [sflag:s13], $0x200  }
0x78: {  	[sflag:s13] =	ssyncset.done $0x0  }
0x79: {  	[sflag:s13] =	ssyncadd.s32 $0xFFFFFE00  }
0x7a: {  	_ =	swait.ge [sflag:s13], $0x200  }
0x7b: {  	[sflag:s13] =	ssyncset.done $0x0  }
0x7c: {  	[sflag:s13] =	ssyncadd.s32 $0xFFFFFE00  }
0x7d: {  	_ =	swait.ge [sflag:s13], $0x200  }
0x7e: {  	[sflag:s13] =	ssyncset.done $0x0  }
0x7f: {  	[sflag:s13] =	ssyncadd.s32 $0xFFFFFE00  }
0x80: {  	_ =	swait.ge [sflag:s13], $0x200  }
0x81: {  	[sflag:s13] =	ssyncset.done $0x0  }
0x82: {  	[sflag:s13] =	ssyncadd.s32 $0xFFFFFE00  }
0x83: {  	_ =	swait.ge [sflag:s13], $0x200  }
0x84: {  	[sflag:s13] =	ssyncset.done $0x0  }
0x85: {  	[sflag:s13] =	ssyncadd.s32 $0xFFFFFE00  }
0x86: {  	_ =	swait.ge [sflag:s13], $0x200  }
0x87: {  	[sflag:s13] =	ssyncset.done $0x0  }
0x88: {  	[sflag:s13] =	ssyncadd.s32 $0xFFFFFE00  }
0x89: {  	_ =	swait.ge [sflag:s13], $0x200  }
0x8a: {  	[sflag:s13] =	ssyncset.done $0x0  }
0x8b: {  	[sflag:s13] =	ssyncadd.s32 $0xFFFFFE00  }
0x8c: {  	_ =	swait.ge [sflag:s21], $0xC380  }
0x8d: {  	[sflag:s21] =	ssyncset.done $0x0  }
0x8e: {  	[sflag:s21] =	ssyncadd.s32 $0xFFFF3C80  }
0x8f: {  	_ =	swait.ge [sflag:s22], $0x2800  }
0x90: {  	[sflag:s22] =	ssyncset.done $0x0  }
0x91: {  	s26 =	simm.s32 $0x0;
	[sflag:s22] =	ssyncadd.s32 $0xFFFFD800  }
0x92: {  	v21 =	vld [tilespmem:s26+$0x0];
	_ =	sdelay $0x6  }
0x93: {  	v23 =	vld [tilespmem:s26+$0x16780]  }
0x94: {  	v22 =	vld.idx.msk [tilespmem:v21+s12+$0x0], $0xffff;
	_ =	sdelay $0x1  }
0x95: {  	v24 =	vld [tilespmem:s26+$0x18F80];
	_ =	sdelay $0x1  }
0x96: {  	v25 =	vld [tilespmem:s26+$0x2800]  }
0x97: {  	v22 =	vadd.f32 v23, v22;
	_ =	sdelay $0x1  }
0x98: {  	v22 =	vadd.f32 v24, v22;
	_ =	sdelay $0x1  }
0x99: {  	v22 =	vmul.f32 v22, v25;
	_ =	sdelay $0x1  }
0x9a: {  	v23 =	vsub.f32 $0.0e+00, v22;
	_ =	sdelay $0x1  }
0x9b: {  	v23 =	vmin.f32 v22, v23  }
0x9c: {  	v23 =	vmul.f32 $1.442695020e+00, v23;
	_ =	sdelay $0x1  }
0x9d: {  	(erf) = vpow2.f32 v23;
	_ =	sdelay $0x8  }
0x9e: {  	v23 =	vpop (erf)  }
0x9f: {  	v24 =	vadd.f32 $2.000000000e+00, v23;
	_ =	sdelay $0x1  }
0xa0: {  	(erf) = vrcp.f32 v24;
	_ =	sdelay $0x8  }
0xa1: {  	v24 =	vpop (erf)  }
0xa2: {  	v23 =	vmul.f32 v24, v23;
	_ =	sdelay $0x1  }
0xa3: {  	v24 =	vmul.f32 v23, v23;
	_ =	sdelay $0x1  }
0xa4: {  	v25 =	vmul.f32 $1.428571490e-01, v24;
	_ =	sdelay $0x1  }
0xa5: {  	v25 =	vadd.f32 $2.000000030e-01, v25;
	_ =	sdelay $0x1  }
0xa6: {  	v25 =	vmul.f32 v25, v24;
	_ =	sdelay $0x1  }
0xa7: {  	v25 =	vadd.f32 $3.333333430e-01, v25;
	_ =	sdelay $0x1  }
0xa8: {  	v24 =	vmul.f32 v25, v24  }
0xa9: {  	s29 =	simm.s32 $0x10;
	s25 =	simm.s32 $0x0;
	s28 =	simm.s32 $0x80  }
.LBB2_6:
0xaa: {  	p0 =	sne.s32 s28, $0x9FC0;
	v25 =	vld [tilespmem:s29+$0x0];
	v23 =	vadd.f32 v23, v23;
	v24 =	vadd.f32 $1.000000000e+00, v24;
	_ =	sdelay $0x1  }
0xab: {  	v23 =	vmul.f32 v24, v23  }
0xac: {  	v22 =	vmin.f32 v22, $0.0e+00  }
0xad: {  	v22 =	vsub.f32 v22, v23  }
0xae: {  	vm0 =	veq.s32 v21, $0xC34F;
	v21 =	vmov v25  }
0xaf: {  	v22 =	vsel vm0, $0x0, v22  }
0xb0: {  	[tilespmem:s26+$0x16780] =	vst v22;
	s26 =	smov.u32 s29  }
0xb1: {  	v22 =	vld.idx.msk [tilespmem:v25+s12+$0x0], $0xffff  }
0xb2: {  	v23 =	vld [tilespmem:s26+$0x16780];
	_ =	sdelay $0x1  }
0xb3: {  	v24 =	vld [tilespmem:s26+$0x18F80];
	_ =	sdelay $0x1  }
0xb4: {  	v25 =	vld [tilespmem:s26+$0x2800]  }
0xb5: {  	v22 =	vadd.f32 v23, v22;
	_ =	sdelay $0x1  }
0xb6: {  	v22 =	vadd.f32 v24, v22;
	_ =	sdelay $0x1  }
0xb7: {  	v22 =	vmul.f32 v22, v25;
	_ =	sdelay $0x1  }
0xb8: {  	v23 =	vsub.f32 $0.0e+00, v22;
	_ =	sdelay $0x1  }
0xb9: {  	v23 =	vmin.f32 v22, v23  }
0xba: {  	v23 =	vmul.f32 $1.442695020e+00, v23;
	_ =	sdelay $0x1  }
0xbb: {  	(erf) = vpow2.f32 v23;
	_ =	sdelay $0x8  }
0xbc: {  	v23 =	vpop (erf)  }
0xbd: {  	v24 =	vadd.f32 $2.000000000e+00, v23;
	_ =	sdelay $0x1  }
0xbe: {  	(erf) = vrcp.f32 v24;
	_ =	sdelay $0x8  }
0xbf: {  	v24 =	vpop (erf)  }
0xc0: {  	v23 =	vmul.f32 v24, v23;
	_ =	sdelay $0x1  }
0xc1: {  	v24 =	vmul.f32 v23, v23;
	_ =	sdelay $0x1  }
0xc2: {  	v25 =	vmul.f32 $1.428571490e-01, v24;
	_ =	sdelay $0x1  }
0xc3: {  	v25 =	vadd.f32 $2.000000030e-01, v25;
	_ =	sdelay $0x1  }
0xc4: {  	v25 =	vmul.f32 v25, v24  }
.Ltmp2:
0xc5: {  	(pc) =	sbr.rel @p0 .LBB2_6-.Ltmp2, $3  }
0xc6: {  	v25 =	vadd.f32 $3.333333430e-01, v25;
	_ =	sdelay $0x1  }
0xc7: {  	v24 =	vmul.f32 v25, v24  }
0xc8: {  	s29 =	sshra.s32 s28, $0x2;
	s28 =	sadd.s32 $0x40, s28  }
0xc9: {  	v25 =	vld [tilespmem:s29+$0x0];
	v23 =	vadd.f32 v23, v23;
	v24 =	vadd.f32 $1.000000000e+00, v24;
	_ =	sdelay $0x1  }
0xca: {  	v23 =	vmul.f32 v24, v23  }
0xcb: {  	v22 =	vmin.f32 v22, $0.0e+00  }
0xcc: {  	v22 =	vsub.f32 v22, v23  }
0xcd: {  	vm0 =	veq.s32 v21, $0xC34F  }
0xce: {  	v21 =	vsel vm0, $0x0, v22  }
0xcf: {  	[tilespmem:s26+$0x16780] =	vst v21  }
0xd0: {  	v21 =	vld.idx.msk [tilespmem:v25+s12+$0x0], $0xffff  }
0xd1: {  	v22 =	vld [tilespmem:s29+$0x16780];
	_ =	sdelay $0x1  }
0xd2: {  	v23 =	vld [tilespmem:s29+$0x18F80];
	_ =	sdelay $0x1  }
0xd3: {  	v24 =	vld [tilespmem:s29+$0x2800]  }
0xd4: {  	v21 =	vadd.f32 v22, v21;
	_ =	sdelay $0x1  }
0xd5: {  	v21 =	vadd.f32 v23, v21;
	_ =	sdelay $0x1  }
0xd6: {  	v21 =	vmul.f32 v21, v24;
	_ =	sdelay $0x1  }
0xd7: {  	v22 =	vsub.f32 $0.0e+00, v21;
	_ =	sdelay $0x1  }
0xd8: {  	v22 =	vmin.f32 v21, v22  }
0xd9: {  	v22 =	vmul.f32 $1.442695020e+00, v22;
	_ =	sdelay $0x1  }
0xda: {  	(erf) = vpow2.f32 v22;
	_ =	sdelay $0x8  }
0xdb: {  	v22 =	vpop (erf)  }
0xdc: {  	v23 =	vadd.f32 $2.000000000e+00, v22;
	_ =	sdelay $0x1  }
0xdd: {  	(erf) = vrcp.f32 v23;
	_ =	sdelay $0x8  }
0xde: {  	v23 =	vpop (erf)  }
0xdf: {  	v22 =	vmul.f32 v23, v22;
	_ =	sdelay $0x1  }
0xe0: {  	v23 =	vmul.f32 v22, v22;
	_ =	sdelay $0x1  }
0xe1: {  	v24 =	vmul.f32 $1.428571490e-01, v23;
	_ =	sdelay $0x1  }
0xe2: {  	v24 =	vadd.f32 $2.000000030e-01, v24;
	_ =	sdelay $0x1  }
0xe3: {  	v24 =	vmul.f32 v24, v23;
	_ =	sdelay $0x1  }
0xe4: {  	v24 =	vadd.f32 $3.333333430e-01, v24;
	_ =	sdelay $0x1  }
0xe5: {  	v23 =	vmul.f32 v24, v23;
	v24 =	vmov s25  }
0xe6: {  	v24 =	vmul.u32 $0x14, v24  }
0xe7: {  	v22 =	vadd.f32 v22, v22;
	v23 =	vadd.f32 $1.000000000e+00, v23  }
0xe8: {  	v24 =	vbroadcast v24, $0x0  }
0xe9: {  	v22 =	vmul.f32 v23, v22  }
0xea: {  	v21 =	vmin.f32 v21, $0.0e+00;
	v23 =	vadd.s32 v1, v24  }
0xeb: {  	v21 =	vsub.f32 v21, v22  }
0xec: {  	vm15 =	veq.s32 v25, $0xC34F;
	v22 =	vadd.s32 v2, v24  }
0xed: {  	v21 =	vsel vm15, $0x0, v21  }
0xee: {  	[tilespmem:s29+$0x16780] =	vst v21;
	v21 =	vadd.s32 v3, v24  }
0xef: {  	v23 =	vld.idx.msk [tilespmem:v23+s19+$0x0], $0xffff  }
0xf0: {  	v25 =	vadd.s32 v4, v24  }
0xf1: {  	v22 =	vld.idx.msk [tilespmem:v22+s19+$0x0], $0xffff  }
0xf2: {  	v26 =	vadd.s32 v5, v24  }
0xf3: {  	v21 =	vld.idx.msk [tilespmem:v21+s19+$0x0], $0xffff  }
0xf4: {  	v27 =	vadd.s32 v6, v24;
	v23 =	vadd.f32 $0.0e+00, v23  }
0xf5: {  	v25 =	vld.idx.msk [tilespmem:v25+s19+$0x0], $0xffff  }
0xf6: {  	v28 =	vadd.s32 v7, v24;
	v22 =	vadd.f32 v22, v23  }
0xf7: {  	v23 =	vld.idx.msk [tilespmem:v26+s19+$0x0], $0xffff  }
0xf8: {  	v26 =	vadd.s32 v8, v24;
	v21 =	vadd.f32 v21, v22  }
0xf9: {  	v22 =	vld.idx.msk [tilespmem:v27+s19+$0x0], $0xffff  }
0xfa: {  	v27 =	vadd.s32 v9, v24;
	v21 =	vadd.f32 v25, v21  }
0xfb: {  	v25 =	vld.idx.msk [tilespmem:v28+s19+$0x0], $0xffff  }
0xfc: {  	v56 =	vadd.s32 v10, v24;
	v21 =	vadd.f32 v23, v21  }
0xfd: {  	v23 =	vld.idx.msk [tilespmem:v26+s19+$0x0], $0xffff  }
0xfe: {  	v26 =	vadd.s32 v11, v24;
	v21 =	vadd.f32 v22, v21  }
0xff: {  	v22 =	vld.idx.msk [tilespmem:v27+s19+$0x0], $0xffff  }
0x100: {  	v27 =	vadd.s32 v12, v24;
	v21 =	vadd.f32 v25, v21  }
0x101: {  	v25 =	vld.idx.msk [tilespmem:v56+s19+$0x0], $0xffff  }
0x102: {  	v57 =	vadd.s32 v13, v24;
	v21 =	vadd.f32 v23, v21  }
0x103: {  	v23 =	vld.idx.msk [tilespmem:v26+s19+$0x0], $0xffff  }
0x104: {  	v26 =	vadd.s32 v14, v24;
	v21 =	vadd.f32 v22, v21  }
0x105: {  	v22 =	vld.idx.msk [tilespmem:v27+s19+$0x0], $0xffff  }
0x106: {  	v27 =	vadd.s32 v15, v24;
	v21 =	vadd.f32 v25, v21  }
0x107: {  	v25 =	vld.idx.msk [tilespmem:v57+s19+$0x0], $0xffff  }
0x108: {  	v58 =	vadd.s32 v16, v24;
	v21 =	vadd.f32 v23, v21  }
0x109: {  	v23 =	vld.idx.msk [tilespmem:v26+s19+$0x0], $0xffff  }
0x10a: {  	v26 =	vadd.s32 v17, v24;
	v21 =	vadd.f32 v22, v21  }
0x10b: {  	v22 =	vld.idx.msk [tilespmem:v27+s19+$0x0], $0xffff  }
0x10c: {  	v27 =	vadd.s32 v18, v24;
	v21 =	vadd.f32 v25, v21  }
0x10d: {  	v25 =	vld.idx.msk [tilespmem:v58+s19+$0x0], $0xffff  }
0x10e: {  	v59 =	vadd.s32 v19, v24;
	v21 =	vadd.f32 v23, v21  }
0x10f: {  	v23 =	vld.idx.msk [tilespmem:v26+s19+$0x0], $0xffff  }
0x110: {  	v24 =	vadd.s32 v20, v24;
	v21 =	vadd.f32 v22, v21  }
0x111: {  	v22 =	vld.idx.msk [tilespmem:v27+s19+$0x0], $0xffff  }
0x112: {  	s29 =	simm.s32 $0x10;
	v21 =	vadd.f32 v25, v21  }
0x113: {  	v26 =	vmov s29;
	v25 =	vld.idx.msk [tilespmem:v59+s19+$0x0], $0xffff  }
0x114: {  	v26 =	vmul.u32 $0x14, v26;
	v21 =	vadd.f32 v23, v21  }
0x115: {  	v23 =	vld.idx.msk [tilespmem:v24+s19+$0x0], $0xffff  }
0x116: {  	v24 =	vbroadcast v26, $0x0;
	v21 =	vadd.f32 v22, v21;
	_ =	sdelay $0x1  }
0x117: {  	v22 =	vadd.s32 v1, v24;
	v21 =	vadd.f32 v25, v21;
	_ =	sdelay $0x1  }
0x118: {  	v25 =	vadd.s32 v2, v24;
	v21 =	vadd.f32 v23, v21  }
0x119: {  	s25 =	simm.s32 $0x1B780  }
0x11a: {  	v23 =	vadd.s32 v3, v24;
	[tilespmem:s25+$0x0] =	vst v21  }
0x11b: {  	v21 =	vld.idx.msk [tilespmem:v22+s19+$0x0], $0xffff  }
0x11c: {  	v22 =	vadd.s32 v4, v24  }
0x11d: {  	v25 =	vld.idx.msk [tilespmem:v25+s19+$0x0], $0xffff  }
0x11e: {  	v26 =	vadd.s32 v5, v24  }
0x11f: {  	v23 =	vld.idx.msk [tilespmem:v23+s19+$0x0], $0xffff  }
0x120: {  	v27 =	vadd.s32 v6, v24;
	v21 =	vadd.f32 $0.0e+00, v21  }
0x121: {  	v22 =	vld.idx.msk [tilespmem:v22+s19+$0x0], $0xffff  }
0x122: {  	v60 =	vadd.s32 v7, v24;
	v21 =	vadd.f32 v25, v21  }
0x123: {  	v25 =	vld.idx.msk [tilespmem:v26+s19+$0x0], $0xffff  }
0x124: {  	v26 =	vadd.s32 v8, v24;
	v21 =	vadd.f32 v23, v21  }
0x125: {  	v23 =	vld.idx.msk [tilespmem:v27+s19+$0x0], $0xffff  }
0x126: {  	v27 =	vadd.s32 v9, v24;
	v21 =	vadd.f32 v22, v21  }
0x127: {  	v22 =	vld.idx.msk [tilespmem:v60+s19+$0x0], $0xffff  }
0x128: {  	v61 =	vadd.s32 v10, v24;
	v21 =	vadd.f32 v25, v21  }
0x129: {  	v25 =	vld.idx.msk [tilespmem:v26+s19+$0x0], $0xffff  }
0x12a: {  	v26 =	vadd.s32 v11, v24;
	v21 =	vadd.f32 v23, v21  }
0x12b: {  	v23 =	vld.idx.msk [tilespmem:v27+s19+$0x0], $0xffff  }
0x12c: {  	v27 =	vadd.s32 v12, v24;
	v21 =	vadd.f32 v22, v21  }
0x12d: {  	v22 =	vld.idx.msk [tilespmem:v61+s19+$0x0], $0xffff  }
0x12e: {  	v62 =	vadd.s32 v13, v24;
	v21 =	vadd.f32 v25, v21  }
0x12f: {  	v25 =	vld.idx.msk [tilespmem:v26+s19+$0x0], $0xffff  }
0x130: {  	v26 =	vadd.s32 v14, v24;
	v21 =	vadd.f32 v23, v21  }
0x131: {  	v23 =	vld.idx.msk [tilespmem:v27+s19+$0x0], $0xffff  }
0x132: {  	v27 =	vadd.s32 v15, v24;
	v21 =	vadd.f32 v22, v21  }
0x133: {  	v22 =	vld.idx.msk [tilespmem:v62+s19+$0x0], $0xffff  }
0x134: {  	v63 =	vadd.s32 v16, v24;
	v21 =	vadd.f32 v25, v21  }
0x135: {  	v25 =	vld.idx.msk [tilespmem:v26+s19+$0x0], $0xffff  }
0x136: {  	v21 =	vadd.f32 v23, v21;
	v23 =	vadd.s32 v17, v24  }
0x137: {  	v26 =	vld.idx.msk [tilespmem:v27+s19+$0x0], $0xffff  }
0x138: {  	v27 =	vadd.s32 v18, v24;
	v21 =	vadd.f32 v22, v21  }
0x139: {  	v28 =	vld.idx.msk [tilespmem:v63+s19+$0x0], $0xffff  }
0x13a: {  	v29 =	vadd.s32 v19, v24;
	v22 =	vadd.f32 v25, v21  }
0x13b: {  	v24 =	vadd.s32 v20, v24;
	v21 =	vld.idx.msk [tilespmem:v23+s19+$0x0], $0xffff  }
0x13c: {  	v23 =	vadd.f32 v26, v22  }
0x13d: {  	v22 =	vld.idx.msk [tilespmem:v27+s19+$0x0], $0xffff  }
0x13e: {  	s30 =	simm.s32 $0x20;
	v25 =	vadd.f32 v28, v23  }
0x13f: {  	s26 =	simm.s32 $0x30;
	v26 =	vmov s30;
	v23 =	vld.idx.msk [tilespmem:v29+s19+$0x0], $0xffff  }
.LBB2_8:
0x140: {  	p0 =	sne.s32 s26, $0x1F0;
	v26 =	vmul.u32 $0x14, v26;
	v21 =	vadd.f32 v21, v25;
	v24 =	vld.idx.msk [tilespmem:v24+s19+$0x0], $0xffff;
	_ =	sdelay $0x1  }
0x141: {  	v25 =	vbroadcast v26, $0x0;
	v21 =	vadd.f32 v22, v21;
	_ =	sdelay $0x1  }
0x142: {  	v22 =	vadd.s32 v1, v25;
	v21 =	vadd.f32 v23, v21;
	_ =	sdelay $0x1  }
0x143: {  	v23 =	vadd.s32 v2, v25;
	v21 =	vadd.f32 v24, v21  }
0x144: {  	s25 =	sadd.s32 $0x10, s25  }
0x145: {  	v24 =	vadd.s32 v3, v25;
	[tilespmem:s25+$0x0] =	vst v21  }
0x146: {  	v21 =	vld.idx.msk [tilespmem:v22+s19+$0x0], $0xffff  }
0x147: {  	v22 =	vadd.s32 v4, v25  }
0x148: {  	v23 =	vld.idx.msk [tilespmem:v23+s19+$0x0], $0xffff  }
0x149: {  	v26 =	vadd.s32 v5, v25  }
0x14a: {  	v24 =	vld.idx.msk [tilespmem:v24+s19+$0x0], $0xffff  }
0x14b: {  	v27 =	vadd.s32 v6, v25  }
0x14c: {  	v21 =	vadd.f32 $0.0e+00, v21;
	v22 =	vld.idx.msk [tilespmem:v22+s19+$0x0], $0xffff  }
0x14d: {  	v28 =	vadd.s32 v7, v25  }
0x14e: {  	v21 =	vadd.f32 v23, v21;
	v23 =	vld.idx.msk [tilespmem:v26+s19+$0x0], $0xffff  }
0x14f: {  	v26 =	vadd.s32 v8, v25  }
0x150: {  	v21 =	vadd.f32 v24, v21;
	v24 =	vld.idx.msk [tilespmem:v27+s19+$0x0], $0xffff  }
0x151: {  	v27 =	vadd.s32 v9, v25  }
0x152: {  	v21 =	vadd.f32 v22, v21;
	v22 =	vld.idx.msk [tilespmem:v28+s19+$0x0], $0xffff  }
0x153: {  	v28 =	vadd.s32 v10, v25  }
0x154: {  	v21 =	vadd.f32 v23, v21;
	v23 =	vld.idx.msk [tilespmem:v26+s19+$0x0], $0xffff  }
0x155: {  	v26 =	vadd.s32 v11, v25  }
0x156: {  	v21 =	vadd.f32 v24, v21;
	v24 =	vld.idx.msk [tilespmem:v27+s19+$0x0], $0xffff  }
0x157: {  	v27 =	vadd.s32 v12, v25  }
0x158: {  	v21 =	vadd.f32 v22, v21;
	v22 =	vld.idx.msk [tilespmem:v28+s19+$0x0], $0xffff  }
0x159: {  	v28 =	vadd.s32 v13, v25  }
0x15a: {  	v21 =	vadd.f32 v23, v21;
	v23 =	vld.idx.msk [tilespmem:v26+s19+$0x0], $0xffff  }
0x15b: {  	v26 =	vadd.s32 v14, v25  }
0x15c: {  	v21 =	vadd.f32 v24, v21;
	v24 =	vld.idx.msk [tilespmem:v27+s19+$0x0], $0xffff  }
0x15d: {  	v27 =	vadd.s32 v15, v25  }
0x15e: {  	v21 =	vadd.f32 v22, v21;
	v22 =	vld.idx.msk [tilespmem:v28+s19+$0x0], $0xffff  }
0x15f: {  	v28 =	vadd.s32 v16, v25  }
0x160: {  	v21 =	vadd.f32 v23, v21;
	v23 =	vld.idx.msk [tilespmem:v26+s19+$0x0], $0xffff  }
0x161: {  	v26 =	vadd.s32 v17, v25  }
0x162: {  	v21 =	vadd.f32 v24, v21;
	v27 =	vld.idx.msk [tilespmem:v27+s19+$0x0], $0xffff  }
0x163: {  	v29 =	vadd.s32 v18, v25  }
0x164: {  	v21 =	vadd.f32 v22, v21;
	v28 =	vld.idx.msk [tilespmem:v28+s19+$0x0], $0xffff  }
0x165: {  	v30 =	vadd.s32 v19, v25  }
0x166: {  	v22 =	vadd.f32 v23, v21;
	v21 =	vld.idx.msk [tilespmem:v26+s19+$0x0], $0xffff  }
.Ltmp3:
0x167: {  	v24 =	vadd.s32 v20, v25;
	(pc) =	sbr.rel @p0 .LBB2_8-.Ltmp3, $3  }
0x168: {  	v23 =	vadd.f32 v27, v22;
	v22 =	vld.idx.msk [tilespmem:v29+s19+$0x0], $0xffff;
	_ =	sdelay $0x1  }
0x169: {  	v25 =	vadd.f32 v28, v23;
	v23 =	vld.idx.msk [tilespmem:v30+s19+$0x0], $0xffff  }
0x16a: {  	v26 =	vmov s26;
	s26 =	sadd.s32 $0x10, s26  }
0x16b: {  	_ =	sdelay $0x2  }
0x16c: {  	v26 =	vmul.u32 $0x14, v26;
	v21 =	vadd.f32 v21, v25  }
0x16d: {  	v24 =	vld.idx.msk [tilespmem:v24+s19+$0x0], $0xffff  }
0x16e: {  	v45 =	vbroadcast v26, $0x0;
	v21 =	vadd.f32 v22, v21;
	_ =	sdelay $0x1  }
0x16f: {  	v22 =	vadd.s32 v1, v45;
	v21 =	vadd.f32 v23, v21;
	_ =	sdelay $0x1  }
0x170: {  	v23 =	vadd.s32 v2, v45;
	v21 =	vadd.f32 v24, v21  }
0x171: {  	s25 =	sadd.s32 $0x10, s25  }
0x172: {  	v46 =	vadd.s32 v3, v45;
	[tilespmem:s25+$0x0] =	vst v21  }
0x173: {  	v21 =	vld.idx.msk [tilespmem:v22+s19+$0x0], $0xffff  }
0x174: {  	v22 =	vadd.s32 v4, v45  }
0x175: {  	v23 =	vld.idx.msk [tilespmem:v23+s19+$0x0], $0xffff  }
0x176: {  	v26 =	vadd.s32 v5, v45  }
0x177: {  	v24 =	vld.idx.msk [tilespmem:v46+s19+$0x0], $0xffff  }
0x178: {  	v27 =	vadd.s32 v6, v45;
	v21 =	vadd.f32 $0.0e+00, v21  }
0x179: {  	v22 =	vld.idx.msk [tilespmem:v22+s19+$0x0], $0xffff  }
0x17a: {  	v28 =	vadd.s32 v7, v45;
	v21 =	vadd.f32 v23, v21  }
0x17b: {  	v23 =	vld.idx.msk [tilespmem:v26+s19+$0x0], $0xffff  }
0x17c: {  	v47 =	vadd.s32 v8, v45;
	v21 =	vadd.f32 v24, v21  }
0x17d: {  	v48 =	vld.idx.msk [tilespmem:v27+s19+$0x0], $0xffff  }
0x17e: {  	v49 =	vadd.s32 v9, v45;
	v21 =	vadd.f32 v22, v21  }
0x17f: {  	v22 =	vld.idx.msk [tilespmem:v28+s19+$0x0], $0xffff  }
0x180: {  	v50 =	vadd.s32 v10, v45;
	v21 =	vadd.f32 v23, v21  }
0x181: {  	v23 =	vld.idx.msk [tilespmem:v47+s19+$0x0], $0xffff  }
0x182: {  	v51 =	vadd.s32 v11, v45;
	v21 =	vadd.f32 v48, v21  }
0x183: {  	v52 =	vld.idx.msk [tilespmem:v49+s19+$0x0], $0xffff  }
0x184: {  	v53 =	vadd.s32 v12, v45;
	v21 =	vadd.f32 v22, v21  }
0x185: {  	v22 =	vld.idx.msk [tilespmem:v50+s19+$0x0], $0xffff  }
0x186: {  	v54 =	vadd.s32 v13, v45;
	v21 =	vadd.f32 v23, v21  }
0x187: {  	v23 =	vld.idx.msk [tilespmem:v51+s19+$0x0], $0xffff  }
0x188: {  	v55 =	vadd.s32 v14, v45;
	v21 =	vadd.f32 v52, v21  }
0x189: {  	v56 =	vld.idx.msk [tilespmem:v53+s19+$0x0], $0xffff  }
0x18a: {  	v57 =	vadd.s32 v15, v45;
	v21 =	vadd.f32 v22, v21  }
0x18b: {  	v22 =	vld.idx.msk [tilespmem:v54+s19+$0x0], $0xffff  }
0x18c: {  	v58 =	vadd.s32 v16, v45;
	v21 =	vadd.f32 v23, v21  }
0x18d: {  	v23 =	vld.idx.msk [tilespmem:v55+s19+$0x0], $0xffff  }
0x18e: {  	v59 =	vadd.s32 v17, v45;
	v21 =	vadd.f32 v56, v21  }
0x18f: {  	v60 =	vld.idx.msk [tilespmem:v57+s19+$0x0], $0xffff  }
0x190: {  	v61 =	vadd.s32 v18, v45;
	v21 =	vadd.f32 v22, v21  }
0x191: {  	v22 =	vld.idx.msk [tilespmem:v58+s19+$0x0], $0xffff  }
0x192: {  	v62 =	vadd.s32 v19, v45;
	v21 =	vadd.f32 v23, v21  }
0x193: {  	v23 =	vld.idx.msk [tilespmem:v59+s19+$0x0], $0xffff  }
0x194: {  	v25 =	vadd.s32 v20, v45;
	v21 =	vadd.f32 v60, v21  }
0x195: {  	v63 =	vld.idx.msk [tilespmem:v61+s19+$0x0], $0xffff  }
0x196: {  	v21 =	vadd.f32 v22, v21  }
0x197: {  	v22 =	vld.idx.msk [tilespmem:v62+s19+$0x0], $0xffff  }
0x198: {  	v21 =	vadd.f32 v23, v21  }
0x199: {  	v23 =	vld.idx.msk [tilespmem:v25+s19+$0x0], $0xffff  }
0x19a: {  	v21 =	vadd.f32 v63, v21;
	_ =	sdelay $0x1  }
0x19b: {  	v21 =	vadd.f32 v22, v21;
	_ =	sdelay $0x1  }
0x19c: {  	s24 =	sadd.s32 $0x1, s24;
	v21 =	vadd.f32 v23, v21  }
0x19d: {  	p0 =	sne.s32 s24, s11;
	s25 =	sadd.s32 $0x10, s25  }
.Ltmp4:
0x19e: {  	[tilespmem:s25+$0x0] =	vst v21;
	(pc) =	sbr.rel @p0 .LBB2_1-.Ltmp4, $4  }
0x19f: {  	[hbm4b:s10+s3] =	stream.linear.scatter [tilespmem:s23], [sflag:$0x4], $0x200, $0x38;
	[tilespmem:$0x1B980] =	vst v63  }
0x1a0: {  	_ =	swait.ge [sflag:s14], $0x200  }
0x1a1: {  	[sflag:s14] =	ssyncset.done $0x0  }
0x1a2: {  	[sflag:s14] =	ssyncadd.s32 $0xFFFFFE00  }
0x1a3: {  	_ =	sfence.sel $0x180000  }
0x1a4: {  	[bflag:$0x0] =	sbarrier.arrive $0xFFFF  }
0x1a5: {  	_ =	strace $0x90000047  }
0x1a6: {  	s0 =	stileid.u32;
	[bflag:$0x2] =	sbarrier.arrive $0xFFFF  }
0x1a7: {  	p0 =	sne.s32 s0, $0x0;
	s0 =	rddreg [dreg:$0x5]  }
0x1a8: {  	s0 =	sadd.s32 @!p0 $0x100000, s0  }
0x1a9: {  	[sflag:s0] =	ssyncadd.tile.s32 @!p0 $0x1;
	_ =	shalt  }
.Lfunc_end2:
_tile_overlayer_lowered:
.L_overlay_start_2:
0x1aa: {  	(tag) =	ssettag $0x2  }
0x1ab: {  	s0 =	rddreg [dreg:$0x0];
	s2 =	stileid.u32  }
0x1ac: {  	s1 =	rddreg [dreg:$0x1];
	p0 =	sne.s32 s2, $0x0  }
0x1ad: {  	s3 =	rddreg [dreg:$0x2];
	[bflag:$0x3] =	sbarrier.arrive $0xFFFF;
	s2 =	simm.s32 @!p0 $0x1C04  }
0x1ae: {  	[timem:s3], [sflag:s2] =	dma.local @!p0 [hbm:s0], s1  }
0x1af: {  	s0 =	simm.s32 @!p0 $0x4  }
0x1b0: {  	_ =	swait.ge @!p0 [sflag:s0], s1  }
0x1b1: {  	s1 =	ssub.s32 @!p0 $0x0, s1;
	[sflag:s0] =	ssyncset.done @!p0 $0x0  }
0x1b2: {  	[sflag:s0] =	ssyncadd.s32 @!p0 s1  }
0x1b3: {  	[bflag:$0x3] =	sbarrier.arrive $0xFFFF  }
0x1b4: {  	_ =	shalt  }

</sc_bundles>
